<compile_context>
chip_gen: v7x
topology: tpu7x:2x2x1
jax: 0.10.2.dev20260603
libtpu: 0.0.44.dev20260713+nightly
codegen_flags: <defaults>
</compile_context>

<pallas_src>
import jax
import jax.numpy as jnp
from jax.experimental import pallas as pl
from jax.experimental.pallas import tpu as pltpu
from jax.experimental.pallas import tpu_sc as plsc


def _sc_gather(emb, idx_flat):
    n = idx_flat.shape[0]
    dim = emb.shape[1]
    window = 128
    indices = idx_flat.reshape(1, n)
    mesh = plsc.VectorSubcoreMesh(core_axis_name="c", subcore_axis_name="s")

    @pl.kernel(out_type=jax.ShapeDtypeStruct((n, dim), emb.dtype), mesh=mesh)
    def gather_kernel(emb_hbm, i_hbm, o_hbm):
        def body(i_vmem, o_vmem):
            pltpu.sync_copy(emb_hbm.at[i_vmem.at[0]], o_vmem)

        pltpu.emit_pipeline(
            body,
            grid=(n // window,),
            in_specs=[pl.BlockSpec((1, window), lambda i: (0, i))],
            out_specs=[pl.BlockSpec((window, dim), lambda i: (i, 0))],
            core_axis_name=("c", "s"),
            dimension_semantics=(pltpu.PARALLEL,),
        )(i_hbm, o_hbm)

    return gather_kernel(emb, indices)


def _embed(g, pos, g1, b1):
    bb, t, dim = g.shape

    def kern(g_ref, p_ref, g1_ref, b1_ref, h_ref, hn_ref):
        h = g_ref[0] + p_ref[...]
        h_ref[0] = h
        hn_ref[0] = _layernorm_in(h, g1_ref[...], b1_ref[...]).astype(
            jnp.bfloat16)

    return pl.pallas_call(
        kern,
        grid=(bb,),
        in_specs=[
            pl.BlockSpec((1, t, dim), lambda i: (i, 0, 0)),
            pl.BlockSpec((t, dim), lambda i: (0, 0)),
            pl.BlockSpec((1, dim), lambda i: (0, 0)),
            pl.BlockSpec((1, dim), lambda i: (0, 0)),
        ],
        out_specs=[
            pl.BlockSpec((1, t, dim), lambda i: (i, 0, 0)),
            pl.BlockSpec((1, t, dim), lambda i: (i, 0, 0)),
        ],
        out_shape=[
            jax.ShapeDtypeStruct((bb, t, dim), jnp.float32),
            jax.ShapeDtypeStruct((bb, t, dim), jnp.bfloat16),
        ],
        compiler_params=pltpu.CompilerParams(
            dimension_semantics=("parallel",)),
    )(g, pos, g1, b1)


def _layernorm_in(x, g, b):
    mu = jnp.mean(x, axis=-1, keepdims=True)
    var = jnp.mean((x - mu) ** 2, axis=-1, keepdims=True)
    return (x - mu) * jax.lax.rsqrt(var + 1e-5) * g + b


def _attn_heads(hn, wqk_h, wv_aug):
    bb, t, dim = hn.shape
    nh, _, dh2 = wv_aug.shape
    dh = dh2 // 2

    def kern(x_ref, wqk_ref, wv_ref, o_ref):
        for b in range(bb):
            hb = x_ref[b]
            qk = jnp.dot(hb, wqk_ref[0].astype(jnp.bfloat16),
                         preferred_element_type=jnp.float32)
            v_aug = jnp.dot(hb, wv_ref[0].astype(jnp.bfloat16),
                            preferred_element_type=jnp.float32)
            v_aug = v_aug + jnp.concatenate(
                [jnp.zeros((1, dh), jnp.float32),
                 jnp.ones((1, dh), jnp.float32)], axis=-1)
            norm = jnp.sqrt(jnp.sum(qk * qk, axis=-1, keepdims=True))
            kb = (qk / jnp.maximum(norm, 1e-13)).astype(jnp.bfloat16)
            s = jax.lax.dot_general(
                qk.astype(jnp.bfloat16), kb,
                (((1,), (1,)), ((), ())), preferred_element_type=jnp.float32)
            e = jnp.exp(s.astype(jnp.bfloat16))
            o_aug = jnp.dot(e, v_aug.astype(jnp.bfloat16),
                            preferred_element_type=jnp.float32)
            e_diag = jnp.exp(norm)
            num = o_aug[:, :dh] - e_diag * v_aug[:, :dh]
            den = o_aug[:, dh:dh + 1] - e_diag
            o_ref[b, 0] = (num / den).astype(jnp.bfloat16)

    return pl.pallas_call(
        kern,
        grid=(nh,),
        in_specs=[
            pl.BlockSpec((bb, t, dim), lambda j: (0, 0, 0)),
            pl.BlockSpec((1, dim, dh), lambda j: (j, 0, 0)),
            pl.BlockSpec((1, dim, 2 * dh), lambda j: (j, 0, 0)),
        ],
        out_specs=pl.BlockSpec((bb, 1, t, dh), lambda j: (0, j, 0, 0)),
        out_shape=jax.ShapeDtypeStruct((bb, nh, t, dh), jnp.bfloat16),
        compiler_params=pltpu.CompilerParams(
            dimension_semantics=("parallel",)),
    )(hn, wqk_h, wv_aug)


def _merge(x1, x2, o, wout_h, bout, g2, b2, w1, bias1, w2, bias2,
           gn, bn, tblk, emit_ln):
    bb, t, dim = x1.shape
    nh, dh, _ = wout_h.shape
    ff = w1.shape[1]

    def kern(x1_ref, x2_ref, o_ref, wout_ref, bout_ref, g2_ref, b2_ref,
             w1_ref, b1_ref, w2_ref, b2b_ref, gn_ref, bn_ref, *out_refs):
        acc = jnp.zeros((tblk, dim), jnp.float32)
        for h in range(nh):
            acc = acc + jnp.dot(o_ref[0, h],
                                wout_ref[h].astype(jnp.bfloat16),
                                preferred_element_type=jnp.float32)
        y1 = x1_ref[0] + acc + bout_ref[...]
        hh = _layernorm_in(y1, g2_ref[...], b2_ref[...])
        hid = jnp.dot(hh.astype(jnp.bfloat16), w1_ref[...].astype(jnp.bfloat16),
                      preferred_element_type=jnp.float32) + b1_ref[...]
        hid = 0.5 * hid * (1.0 + jax.lax.erf(hid * (2.0 ** -0.5)))
        y2 = x2_ref[0] + jnp.dot(hid.astype(jnp.bfloat16),
                                 w2_ref[...].astype(jnp.bfloat16),
                                 preferred_element_type=jnp.float32) + b2b_ref[...]
        out_refs[0][0] = y1
        out_refs[1][0] = y2
        if emit_ln:
            out_refs[2][0] = _layernorm_in(
                y2, gn_ref[...], bn_ref[...]).astype(jnp.bfloat16)

    nblk = t // tblk
    n_out = 3 if emit_ln else 2
    blk3 = lambda: pl.BlockSpec((1, tblk, dim), lambda i, j: (i, j, 0))
    return pl.pallas_call(
        kern,
        grid=(bb, nblk),
        in_specs=[
            blk3(),
            blk3(),
            pl.BlockSpec((1, nh, tblk, dh), lambda i, j: (i, 0, j, 0)),
            pl.BlockSpec((nh, dh, dim), lambda i, j: (0, 0, 0)),
            pl.BlockSpec((1, dim), lambda i, j: (0, 0)),
            pl.BlockSpec((1, dim), lambda i, j: (0, 0)),
            pl.BlockSpec((1, dim), lambda i, j: (0, 0)),
            pl.BlockSpec((dim, ff), lambda i, j: (0, 0)),
            pl.BlockSpec((1, ff), lambda i, j: (0, 0)),
            pl.BlockSpec((ff, dim), lambda i, j: (0, 0)),
            pl.BlockSpec((1, dim), lambda i, j: (0, 0)),
            pl.BlockSpec((1, dim), lambda i, j: (0, 0)),
            pl.BlockSpec((1, dim), lambda i, j: (0, 0)),
        ],
        out_specs=[blk3() for _ in range(n_out)],
        out_shape=([jax.ShapeDtypeStruct((bb, t, dim), jnp.float32)] * 2
                   + [jax.ShapeDtypeStruct((bb, t, dim), jnp.bfloat16)]
                   * (n_out - 2)),
        compiler_params=pltpu.CompilerParams(
            dimension_semantics=("parallel", "parallel")),
    )(x1, x2, o, wout_h, bout, g2, b2, w1, bias1, w2, bias2, gn, bn)


def _merge_head(x1, x2, o, wout_h, bout, g2, b2, w1, bias1, w2, bias2,
                nf_g, nf_b, wf, bfv, wc, bcv):
    bb, t, dim = x1.shape
    nh, dh, _ = wout_h.shape
    ff = w1.shape[1]
    nc = wc.shape[1]
    hid_d = wf.shape[1]

    def kern(x1_ref, x2_ref, o_ref, wout_ref, bout_ref, g2_ref, b2_ref,
             w1_ref, b1_ref, w2_ref, b2b_ref, nfg_ref, nfb_ref, wf_ref,
             bf_ref, wc_ref, bc_ref, out_ref):
        acc = jnp.zeros((t, dim), jnp.float32)
        for h in range(nh):
            acc = acc + jnp.dot(o_ref[0, h],
                                wout_ref[h].astype(jnp.bfloat16),
                                preferred_element_type=jnp.float32)
        y1 = x1_ref[0] + acc + bout_ref[...]
        hh = _layernorm_in(y1, g2_ref[...], b2_ref[...])
        hid = jnp.dot(hh.astype(jnp.bfloat16), w1_ref[...].astype(jnp.bfloat16),
                      preferred_element_type=jnp.float32) + b1_ref[...]
        hid = 0.5 * hid * (1.0 + jax.lax.erf(hid * (2.0 ** -0.5)))
        y2 = x2_ref[0] + jnp.dot(hid.astype(jnp.bfloat16),
                                 w2_ref[...].astype(jnp.bfloat16),
                                 preferred_element_type=jnp.float32) + b2b_ref[...]
        hfin = _layernorm_in((y1 + y2) * 0.5, nfg_ref[...], nfb_ref[...])
        hm = jnp.mean(hfin, axis=0, keepdims=True)
        f = jnp.maximum(jnp.dot(hm, wf_ref[...],
                                preferred_element_type=jnp.float32)
                        + bf_ref[...], 0.0)
        out_ref[0] = jnp.dot(f, wc_ref[...],
                             preferred_element_type=jnp.float32) + bc_ref[...]

    vec = lambda: pl.BlockSpec((1, dim), lambda i: (0, 0))
    return pl.pallas_call(
        kern,
        grid=(bb,),
        in_specs=[
            pl.BlockSpec((1, t, dim), lambda i: (i, 0, 0)),
            pl.BlockSpec((1, t, dim), lambda i: (i, 0, 0)),
            pl.BlockSpec((1, nh, t, dh), lambda i: (i, 0, 0, 0)),
            pl.BlockSpec((nh, dh, dim), lambda i: (0, 0, 0)),
            vec(), vec(), vec(),
            pl.BlockSpec((dim, ff), lambda i: (0, 0)),
            pl.BlockSpec((1, ff), lambda i: (0, 0)),
            pl.BlockSpec((ff, dim), lambda i: (0, 0)),
            vec(), vec(), vec(),
            pl.BlockSpec((dim, hid_d), lambda i: (0, 0)),
            pl.BlockSpec((1, hid_d), lambda i: (0, 0)),
            pl.BlockSpec((hid_d, nc), lambda i: (0, 0)),
            pl.BlockSpec((1, nc), lambda i: (0, 0)),
        ],
        out_specs=pl.BlockSpec((1, 1, nc), lambda i: (i, 0, 0)),
        out_shape=jax.ShapeDtypeStruct((bb, 1, nc), jnp.float32),
        compiler_params=pltpu.CompilerParams(
            dimension_semantics=("arbitrary",)),
    )(x1, x2, o, wout_h, bout, g2, b2, w1, bias1, w2, bias2,
      nf_g, nf_b, wf, bfv, wc, bcv)


def kernel(x, emb, pos, ln1_g, ln1_b, Wqk, Wv, Wout, bout, ln2_g, ln2_b,
           W1, b1, W2, b2, nf_g, nf_b, Wf, bf, Wc, bc):
    bb, t = x.shape
    dim = emb.shape[1]
    ll, _, hdh = Wqk.shape
    dh = 64
    nh = hdh // dh

    idx = x.reshape(bb * t).astype(jnp.int32)
    g = _sc_gather(emb, idx).reshape(bb, t, dim)
    h, hn = _embed(g, pos[:t], ln1_g[0].reshape(1, dim),
                   ln1_b[0].reshape(1, dim))

    wqk_h = (Wqk * (dh ** -0.5)).reshape(ll, dim, nh, dh).transpose(0, 2, 1, 3)
    wv_h = Wv.reshape(ll, dim, nh, dh).transpose(0, 2, 1, 3)
    wv_aug = jnp.concatenate([wv_h, jnp.zeros_like(wv_h)], axis=-1)
    wout_h = Wout.reshape(ll, nh, dh, dim)

    x1, x2 = h, h
    for l in range(ll - 1):
        o = _attn_heads(hn, wqk_h[l], wv_aug[l])
        outs = _merge(x1, x2, o, wout_h[l], bout[l].reshape(1, dim),
                      ln2_g[l].reshape(1, dim), ln2_b[l].reshape(1, dim),
                      W1[l], b1[l].reshape(1, -1), W2[l],
                      b2[l].reshape(1, dim), ln1_g[l + 1].reshape(1, dim),
                      ln1_b[l + 1].reshape(1, dim), tblk=1024, emit_ln=True)
        x1, x2, hn = outs[0], outs[1], outs[2]

    lz = ll - 1
    o = _attn_heads(hn, wqk_h[lz], wv_aug[lz])
    return _merge_head(
        x1, x2, o, wout_h[lz], bout[lz].reshape(1, dim),
        ln2_g[lz].reshape(1, dim), ln2_b[lz].reshape(1, dim), W1[lz],
        b1[lz].reshape(1, -1), W2[lz], b2[lz].reshape(1, dim),
        nf_g.reshape(1, dim), nf_b.reshape(1, dim), Wf, bf.reshape(1, -1),
        Wc, bc.reshape(1, -1)).reshape(bb, -1)

# --- scband reference (transcript-rebuilt; emitter-appended) ---
"""Pipeline reference for scband-reformer-lm-68427418959943 (READ-ONLY COPY).

The authoritative reference and input builder live on the scoring server;
editing this copy changes nothing except your own understanding.
"""

import jax, jax.numpy as jnp
import numpy as np

B, T, DIM, H, DH, L = 2, 2048, 256, 4, 64, 2
VOCAB, FF, HID, NC = 100000, 1024, 256, 4


def _layernorm(x, g, b):
    mu = jnp.mean(x, axis=-1, keepdims=True)
    var = jnp.mean((x - mu) ** 2, axis=-1, keepdims=True)
    return (x - mu) / jnp.sqrt(var + 1e-5) * g + b


def _attn(x, g, b, Wqk, Wv, Wout, bout):
    bb, t, _ = x.shape
    h = _layernorm(x, g, b)
    qk = h @ Wqk
    v = h @ Wv
    qk = qk.reshape(bb, t, H, DH).transpose(0, 2, 1, 3).reshape(bb * H, t, DH)
    v = v.reshape(bb, t, H, DH).transpose(0, 2, 1, 3).reshape(bb * H, t, DH)
    # shared-QK attention: keys are L2-normalized queries (Reformer FullQKAttention)
    k = qk / jnp.maximum(jnp.linalg.norm(qk, axis=-1, keepdims=True), 1e-12)
    dot = jnp.einsum('bie,bje->bij', qk, k) * (DH ** -0.5)
    idx = jnp.arange(t)
    dot = dot.at[:, idx, idx].set(-5e4)  # TOKEN_SELF_ATTN_VALUE
    attn = jax.nn.softmax(dot, axis=-1)
    o = jnp.einsum('bij,bje->bie', attn, v)
    o = o.reshape(bb, H, t, DH).transpose(0, 2, 1, 3).reshape(bb, t, H * DH)
    return o @ Wout + bout


def _ff(x, g, b, W1, b1, W2, b2):
    h = _layernorm(x, g, b)
    h = jax.nn.gelu(h @ W1 + b1, approximate=False)
    return h @ W2 + b2


def setup_inputs(seed: int = 0):
    key = jax.random.key(seed)
    ks = jax.random.split(key, 12)
    def nrm(k, shape):
        return jax.random.normal(k, shape, dtype=jnp.float32) * 0.02
    x = jax.random.randint(ks[0], (B, T), 0, VOCAB)
    return {
        'x': x,
        'emb': nrm(ks[1], (VOCAB, DIM)),
        'pos': nrm(ks[2], (T, DIM)),
        'ln1_g': jnp.ones((L, DIM), jnp.float32),
        'ln1_b': jnp.zeros((L, DIM), jnp.float32),
        'Wqk': nrm(ks[3], (L, DIM, H * DH)),
        'Wv': nrm(ks[4], (L, DIM, H * DH)),
        'Wout': nrm(ks[5], (L, H * DH, DIM)),
        'bout': jnp.zeros((L, DIM), jnp.float32),
        'ln2_g': jnp.ones((L, DIM), jnp.float32),
        'ln2_b': jnp.zeros((L, DIM), jnp.float32),
        'W1': nrm(ks[6], (L, DIM, FF)),
        'b1': jnp.zeros((L, FF), jnp.float32),
        'W2': nrm(ks[7], (L, FF, DIM)),
        'b2': jnp.zeros((L, DIM), jnp.float32),
        'nf_g': jnp.ones((DIM,), jnp.float32),
        'nf_b': jnp.zeros((DIM,), jnp.float32),
        'Wf': nrm(ks[8], (DIM, HID)),
        'bf': jnp.zeros((HID,), jnp.float32),
        'Wc': nrm(ks[9], (HID, NC)),
        'bc': jnp.zeros((NC,), jnp.float32),
    }


def reference(x, emb, pos, ln1_g, ln1_b, Wqk, Wv, Wout, bout, ln2_g, ln2_b, W1, b1, W2, b2, nf_g, nf_b, Wf, bf, Wc, bc):
    t = x.shape[1]
    h = emb[x] + pos[:t]  # token embedding gather + absolute positional embedding
    # Reformer reversible stack: x -> cat([x, x]); y1 = x1 + attn(x2); y2 = x2 + ff(y1)
    x1, x2 = h, h
    for l in range(L):
        y1 = x1 + _attn(x2, ln1_g[l], ln1_b[l], Wqk[l], Wv[l], Wout[l], bout[l])
        y2 = x2 + _ff(y1, ln2_g[l], ln2_b[l], W1[l], b1[l], W2[l], b2[l])
        x1, x2 = y1, y2
    h = (x1 + x2) * 0.5  # stack(chunk(x, 2)).mean(0)
    h = _layernorm(h, nf_g, nf_b)
    h = jnp.mean(h, axis=1)  # meanOverSequence
    h = jax.nn.relu(h @ Wf + bf)  # ffnn block (dropout=0)
    return h @ Wc + bc  # fcOutput

if __name__ == "__main__":
    import jax
    _d = setup_inputs()
    print(jax.jit(kernel)(*tuple(_d.values())))

</pallas_src>

<mosaic_0001>
#map = affine_map<(d0, d1) -> (0, 0)>
module attributes {stable_mosaic.version = 14 : i64} {
  func.func @gather_kernel(%arg0: i32, %arg1: i32, %arg2: memref<100000x256xf32, #tpu.memory_space<hbm>>, %arg3: memref<1x4096xi32, #tpu.memory_space<hbm>>, %arg4: memref<4096x256xf32, #tpu.memory_space<hbm>>) attributes {dimension_semantics = [#tpu.dimension_semantics<core_parallel>, #tpu.dimension_semantics<subcore_parallel>], iteration_bounds = array<i64: 2, 16>, scalar_prefetch = 0 : i64, scratch_operands = 0 : i64, tpu.core_type = #tpu.core_type<sc_vector_subcore>, window_params = [{transform_indices = #map}, {transform_indices = #map}, {transform_indices = #map}]} {
    %mul3A = arith.constant 1 : i32
    %mul3A_0 = arith.muli %arg1, %mul3A : i32
    %add3A = arith.constant 0 : i32
    %add3A_1 = arith.addi %add3A, %mul3A_0 : i32
    %mul3A_2 = arith.constant 16 : i32
    %mul3A_3 = arith.muli %arg0, %mul3A_2 : i32
    %add3A_4 = arith.addi %add3A_1, %mul3A_3 : i32
    %mul3A_5 = arith.constant 1 : i32
    %mul3A_6 = arith.muli %add3A_4, %mul3A_5 : i32
    "tpu.region"() ({
      %run_scoped3A = memref.alloca() : memref<2x1x128xi32, #tpu.memory_space<vmem>>
      %run_scoped3A_7 = tpu.sem_alloc : memref<2x!tpu.dma_semaphore, #tpu.memory_space<semaphore_mem>>
      %run_scoped3A_8 = memref.alloca() : memref<2x128x256xf32, #tpu.memory_space<vmem>>
      %run_scoped3A_9 = tpu.sem_alloc : memref<2x!tpu.dma_semaphore, #tpu.memory_space<semaphore_mem>>
      %add3A_10 = arith.constant 0 : i32
      %add3A_11 = arith.addi %add3A_10, %mul3A_6 : i32
      %select_n3A = arith.constant true
      %select_n3A_12 = arith.constant 0 : i32
      %select_n3A_13 = arith.constant -1 : i32
      %select_n3A_14 = arith.select %select_n3A, %select_n3A_13, %select_n3A_12 : i32
      %eq3A = arith.constant -1 : i32
      %eq3A_15 = arith.cmpi eq, %select_n3A_14, %eq3A : i32
      %select_n3A_16 = arith.constant 0 : i32
      %select_n3A_17 = arith.select %eq3A_15, %select_n3A_16, %select_n3A_14 : i32
      %add3A_18 = arith.constant 0 : i32
      %add3A_19 = arith.addi %add3A_18, %mul3A_6 : i32
      %select_n3A_20 = arith.constant true
      %select_n3A_21 = arith.constant 0 : i32
      %select_n3A_22 = arith.constant 1 : i32
      %select_n3A_23 = arith.select %select_n3A_20, %select_n3A_22, %select_n3A_21 : i32
      %eq3A_24 = arith.constant 1 : i32
      %eq3A_25 = arith.cmpi eq, %select_n3A_23, %eq3A_24 : i32
      %select_n3A_26 = arith.constant 0 : i32
      %select_n3A_27 = arith.select %eq3A_25, %select_n3A_26, %select_n3A_23 : i32
      %add3A_28 = arith.constant 0 : i32
      %add3A_29 = arith.addi %add3A_28, %mul3A_6 : i32
      %select_n3A_30 = arith.constant true
      %select_n3A_31 = arith.constant 0 : i32
      %select_n3A_32 = arith.constant 1 : i32
      %select_n3A_33 = arith.select %select_n3A_30, %select_n3A_32, %select_n3A_31 : i32
      %eq3A_34 = arith.constant 1 : i32
      %eq3A_35 = arith.cmpi eq, %select_n3A_33, %eq3A_34 : i32
      %select_n3A_36 = arith.constant 0 : i32
      %select_n3A_37 = arith.select %eq3A_35, %select_n3A_36, %select_n3A_33 : i32
      %add3A_38 = arith.constant 0 : i32
      %add3A_39 = arith.addi %add3A_38, %mul3A_6 : i32
      "tpu.trace_start"() <{level = 10 : i32, message = "ep_initialize_0"}> : () -> ()
      %rem3A = arith.constant 0 : i32
      %rem3A_40 = arith.constant 2 : i32
      %rem3A_41 = arith.remui %rem3A, %rem3A_40 : i32
      %mul3A_42 = arith.constant 128 : i32
      %mul3A_43 = arith.muli %mul3A_42, %add3A_11 : i32
      %dma_start3A = arith.constant 0 : i32
      %dma_start3A_44 = arith.constant 0 : i32
      %dma_start3A_45 = tpu.memref_slice %run_scoped3A[%rem3A_41, %dma_start3A, %dma_start3A_44] : memref<2x1x128xi32, #tpu.memory_space<vmem>> -> memref<1x1x128xi32, #tpu.memory_space<vmem>>
      %dma_start3A_46 = tpu.memref_squeeze %dma_start3A_45 : memref<1x1x128xi32, #tpu.memory_space<vmem>> -> memref<1x128xi32, #tpu.memory_space<vmem>>
      %dma_start3A_47 = arith.constant 0 : i32
      %dma_start3A_48 = tpu.memref_slice %arg3[%dma_start3A_47, %mul3A_43] : memref<1x4096xi32, #tpu.memory_space<hbm>> -> memref<1x128xi32, #tpu.memory_space<hbm>>
      %dma_start3A_49 = tpu.memref_slice %run_scoped3A_7[%rem3A_41] : memref<2x!tpu.dma_semaphore, #tpu.memory_space<semaphore_mem>> -> memref<1x!tpu.dma_semaphore, #tpu.memory_space<semaphore_mem>>
      %dma_start3A_50 = tpu.memref_squeeze %dma_start3A_49 : memref<1x!tpu.dma_semaphore, #tpu.memory_space<semaphore_mem>> -> memref<!tpu.dma_semaphore, #tpu.memory_space<semaphore_mem>>
      %dma_start3A_51 = arith.constant 0 : i32
      %dma_start3A_52 = arith.constant 0 : i32
      %dma_start3A_53 = tpu.memref_slice %run_scoped3A[%rem3A_41, %dma_start3A_51, %dma_start3A_52] : memref<2x1x128xi32, #tpu.memory_space<vmem>> -> memref<1x1x128xi32, #tpu.memory_space<vmem>>
      %dma_start3A_54 = tpu.memref_squeeze %dma_start3A_53 : memref<1x1x128xi32, #tpu.memory_space<vmem>> -> memref<1x128xi32, #tpu.memory_space<vmem>>
      %dma_start3A_55 = arith.constant 0 : i32
      %dma_start3A_56 = tpu.memref_slice %arg3[%dma_start3A_55, %mul3A_43] : memref<1x4096xi32, #tpu.memory_space<hbm>> -> memref<1x128xi32, #tpu.memory_space<hbm>>
      tpu.enqueue_dma source(%dma_start3A_56 : memref<1x128xi32, #tpu.memory_space<hbm>>) target(%dma_start3A_54 : memref<1x128xi32, #tpu.memory_space<vmem>>) target_semaphore(%dma_start3A_50 : memref<!tpu.dma_semaphore, #tpu.memory_space<semaphore_mem>>)
      %add3A_57 = arith.constant 0 : i32
      %add3A_58 = arith.constant 1 : i32
      %add3A_59 = arith.addi %add3A_57, %add3A_58 : i32
      %select_n3A_60 = arith.constant true
      %select_n3A_61 = arith.constant 0 : i32
      %select_n3A_62 = arith.select %select_n3A_60, %add3A_59, %select_n3A_61 : i32
      "tpu.trace_stop"() : () -> ()
      %scan3A = arith.constant 0 : i32
      %scan3A_63 = arith.constant 0 : i32
      %scan3A_64 = arith.constant 0 : i32
      %scan3A_65 = arith.constant 0 : i32
      %scan3A_66 = arith.constant 0 : i32
      %eq3A_67 = arith.constant 0 : i32
      %eq3A_68 = arith.cmpi eq, %scan3A_66, %eq3A_67 : i32
      %eq3A_69 = arith.constant 0 : i32
      %eq3A_70 = arith.cmpi eq, %scan3A_66, %eq3A_69 : i32
      %add3A_71 = arith.constant 0 : i32
      %add3A_72 = arith.addi %add3A_71, %mul3A_6 : i32
      %select_n3A_73 = arith.constant true
      %select_n3A_74 = arith.constant 0 : i32
      %select_n3A_75 = arith.constant -1 : i32
      %select_n3A_76 = arith.select %select_n3A_73, %select_n3A_75, %select_n3A_74 : i32
      %eq3A_77 = arith.constant -1 : i32
      %eq3A_78 = arith.cmpi eq, %select_n3A_76, %eq3A_77 : i32
      %select_n3A_79 = arith.constant 0 : i32
      %select_n3A_80 = arith.select %eq3A_78, %select_n3A_79, %select_n3A_76 : i32
      %add3A_81 = arith.constant 0 : i32
      %add3A_82 = arith.addi %add3A_81, %mul3A_6 : i32
      %select_n3A_83 = arith.constant true
      %select_n3A_84 = arith.constant 0 : i32
      %select_n3A_85 = arith.constant 1 : i32
      %select_n3A_86 = arith.select %select_n3A_83, %select_n3A_85, %select_n3A_84 : i32
      %eq3A_87 = arith.constant 1 : i32
      %eq3A_88 = arith.cmpi eq, %select_n3A_86, %eq3A_87 : i32
      %select_n3A_89 = arith.constant 0 : i32
      %select_n3A_90 = arith.select %eq3A_88, %select_n3A_89, %select_n3A_86 : i32
      %add3A_91 = arith.constant 0 : i32
      %add3A_92 = arith.addi %add3A_91, %mul3A_6 : i32
      %select_n3A_93 = arith.constant true
      %select_n3A_94 = arith.constant 0 : i32
      %select_n3A_95 = arith.constant 1 : i32
      %select_n3A_96 = arith.select %select_n3A_93, %select_n3A_95, %select_n3A_94 : i32
      %eq3A_97 = arith.constant 1 : i32
      %eq3A_98 = arith.cmpi eq, %select_n3A_96, %eq3A_97 : i32
      %select_n3A_99 = arith.constant 0 : i32
      %select_n3A_100 = arith.select %eq3A_98, %select_n3A_99, %select_n3A_96 : i32
      %add3A_101 = arith.constant 0 : i32
      %add3A_102 = arith.addi %add3A_101, %mul3A_6 : i32
      %ne3A = arith.cmpi ne, %add3A_72, %add3A_92 : i32
      %or3A = arith.constant false
      %or3A_103 = arith.ori %or3A, %ne3A : i1
      %ge3A = arith.constant 0 : i32
      %ge3A_104 = arith.cmpi sge, %scan3A_66, %ge3A : i32
      %not3A = arith.constant true
      %not3A_105 = arith.xori %ge3A_104, %not3A : i1
      %and3A = arith.andi %or3A_103, %not3A_105 : i1
      %convert_element_type3A = arith.extui %and3A : i1 to i32
      %cond3A = arith.constant 0 : i32
      %cond3A_106 = arith.cmpi ne, %convert_element_type3A, %cond3A : i32
      scf.if %cond3A_106 {
        "tpu.trace_start"() <{level = 10 : i32, message = "ep_copy_in"}> : () -> ()
        %rem3A_266 = arith.constant 2 : i32
        %rem3A_267 = arith.remui %select_n3A_62, %rem3A_266 : i32
        %mul3A_268 = arith.constant 128 : i32
        %mul3A_269 = arith.muli %mul3A_268, %add3A_92 : i32
        %dma_start3A_270 = arith.constant 0 : i32
        %dma_start3A_271 = arith.constant 0 : i32
        %dma_start3A_272 = tpu.memref_slice %run_scoped3A[%rem3A_267, %dma_start3A_270, %dma_start3A_271] : memref<2x1x128xi32, #tpu.memory_space<vmem>> -> memref<1x1x128xi32, #tpu.memory_space<vmem>>
        %dma_start3A_273 = tpu.memref_squeeze %dma_start3A_272 : memref<1x1x128xi32, #tpu.memory_space<vmem>> -> memref<1x128xi32, #tpu.memory_space<vmem>>
        %dma_start3A_274 = arith.constant 0 : i32
        %dma_start3A_275 = tpu.memref_slice %arg3[%dma_start3A_274, %mul3A_269] : memref<1x4096xi32, #tpu.memory_space<hbm>> -> memref<1x128xi32, #tpu.memory_space<hbm>>
        %dma_start3A_276 = tpu.memref_slice %run_scoped3A_7[%rem3A_267] : memref<2x!tpu.dma_semaphore, #tpu.memory_space<semaphore_mem>> -> memref<1x!tpu.dma_semaphore, #tpu.memory_space<semaphore_mem>>
        %dma_start3A_277 = tpu.memref_squeeze %dma_start3A_276 : memref<1x!tpu.dma_semaphore, #tpu.memory_space<semaphore_mem>> -> memref<!tpu.dma_semaphore, #tpu.memory_space<semaphore_mem>>
        %dma_start3A_278 = arith.constant 0 : i32
        %dma_start3A_279 = arith.constant 0 : i32
        %dma_start3A_280 = tpu.memref_slice %run_scoped3A[%rem3A_267, %dma_start3A_278, %dma_start3A_279] : memref<2x1x128xi32, #tpu.memory_space<vmem>> -> memref<1x1x128xi32, #tpu.memory_space<vmem>>
        %dma_start3A_281 = tpu.memref_squeeze %dma_start3A_280 : memref<1x1x128xi32, #tpu.memory_space<vmem>> -> memref<1x128xi32, #tpu.memory_space<vmem>>
        %dma_start3A_282 = arith.constant 0 : i32
        %dma_start3A_283 = tpu.memref_slice %arg3[%dma_start3A_282, %mul3A_269] : memref<1x4096xi32, #tpu.memory_space<hbm>> -> memref<1x128xi32, #tpu.memory_space<hbm>>
        tpu.enqueue_dma source(%dma_start3A_283 : memref<1x128xi32, #tpu.memory_space<hbm>>) target(%dma_start3A_281 : memref<1x128xi32, #tpu.memory_space<vmem>>) target_semaphore(%dma_start3A_277 : memref<!tpu.dma_semaphore, #tpu.memory_space<semaphore_mem>>)
        "tpu.trace_stop"() : () -> ()
      } else {
      }
      %and3A_107 = arith.constant true
      %and3A_108 = arith.andi %and3A, %and3A_107 : i1
      %add3A_109 = arith.constant 1 : i32
      %add3A_110 = arith.addi %select_n3A_62, %add3A_109 : i32
      %select_n3A_111 = arith.select %and3A_108, %add3A_110, %select_n3A_62 : i32
      %ne3A_112 = arith.cmpi ne, %add3A_72, %add3A_92 : i32
      %or3A_113 = arith.constant false
      %or3A_114 = arith.ori %or3A_113, %ne3A_112 : i1
      %or3A_115 = arith.constant false
      %or3A_116 = arith.ori %or3A_114, %or3A_115 : i1
      %ge3A_117 = arith.constant 0 : i32
      %ge3A_118 = arith.cmpi sge, %scan3A_66, %ge3A_117 : i32
      %not3A_119 = arith.constant true
      %not3A_120 = arith.xori %ge3A_118, %not3A_119 : i1
      %and3A_121 = arith.andi %or3A_116, %not3A_120 : i1
      %ne3A_122 = arith.cmpi ne, %add3A_72, %add3A_82 : i32
      %or3A_123 = arith.constant false
      %or3A_124 = arith.ori %or3A_123, %ne3A_122 : i1
      %or3A_125 = arith.ori %or3A_124, %eq3A_68 : i1
      %convert_element_type3A_126 = arith.extui %or3A_125 : i1 to i32
      %cond3A_127 = arith.constant 0 : i32
      %cond3A_128 = arith.cmpi ne, %convert_element_type3A_126, %cond3A_127 : i32
      scf.if %cond3A_128 {
        "tpu.trace_start"() <{level = 10 : i32, message = "ep_wait_in"}> : () -> ()
        %mul3A_266 = arith.constant 128 : i32
        %mul3A_267 = arith.muli %mul3A_266, %add3A_72 : i32
        %rem3A_268 = arith.constant 2 : i32
        %rem3A_269 = arith.remui %scan3A, %rem3A_268 : i32
        %dma_wait3A_270 = arith.constant 0 : i32
        %dma_wait3A_271 = arith.constant 0 : i32
        %dma_wait3A_272 = tpu.memref_slice %run_scoped3A[%rem3A_269, %dma_wait3A_270, %dma_wait3A_271] : memref<2x1x128xi32, #tpu.memory_space<vmem>> -> memref<1x1x128xi32, #tpu.memory_space<vmem>>
        %dma_wait3A_273 = tpu.memref_squeeze %dma_wait3A_272 : memref<1x1x128xi32, #tpu.memory_space<vmem>> -> memref<1x128xi32, #tpu.memory_space<vmem>>
        %dma_wait3A_274 = arith.constant 0 : i32
        %dma_wait3A_275 = tpu.memref_slice %arg3[%dma_wait3A_274, %mul3A_267] : memref<1x4096xi32, #tpu.memory_space<hbm>> -> memref<1x128xi32, #tpu.memory_space<hbm>>
        %dma_wait3A_276 = tpu.memref_slice %run_scoped3A_7[%rem3A_269] : memref<2x!tpu.dma_semaphore, #tpu.memory_space<semaphore_mem>> -> memref<1x!tpu.dma_semaphore, #tpu.memory_space<semaphore_mem>>
        %dma_wait3A_277 = tpu.memref_squeeze %dma_wait3A_276 : memref<1x!tpu.dma_semaphore, #tpu.memory_space<semaphore_mem>> -> memref<!tpu.dma_semaphore, #tpu.memory_space<semaphore_mem>>
        %dma_wait3A_278 = arith.constant 0 : i32
        %dma_wait3A_279 = arith.constant 0 : i32
        %dma_wait3A_280 = tpu.memref_slice %run_scoped3A[%rem3A_269, %dma_wait3A_278, %dma_wait3A_279] : memref<2x1x128xi32, #tpu.memory_space<vmem>> -> memref<1x1x128xi32, #tpu.memory_space<vmem>>
        %dma_wait3A_281 = tpu.memref_squeeze %dma_wait3A_280 : memref<1x1x128xi32, #tpu.memory_space<vmem>> -> memref<1x128xi32, #tpu.memory_space<vmem>>
        %dma_wait3A_282 = arith.constant 0 : i32
        %dma_wait3A_283 = tpu.memref_slice %arg3[%dma_wait3A_282, %mul3A_267] : memref<1x4096xi32, #tpu.memory_space<hbm>> -> memref<1x128xi32, #tpu.memory_space<hbm>>
        tpu.wait_dma2 semaphore(%dma_wait3A_277 : memref<!tpu.dma_semaphore, #tpu.memory_space<semaphore_mem>>) src(%dma_wait3A_283 : memref<1x128xi32, #tpu.memory_space<hbm>>) dst(%dma_wait3A_281 : memref<1x128xi32, #tpu.memory_space<vmem>>)
        "tpu.trace_stop"() : () -> ()
      } else {
      }
      %ne3A_129 = arith.cmpi ne, %add3A_72, %add3A_82 : i32
      %or3A_130 = arith.constant false
      %or3A_131 = arith.ori %or3A_130, %ne3A_129 : i1
      %or3A_132 = arith.constant false
      %or3A_133 = arith.ori %or3A_131, %or3A_132 : i1
      %or3A_134 = arith.ori %or3A_133, %eq3A_68 : i1
      %convert_element_type3A_135 = arith.extui %or3A_134 : i1 to i32
      %cond3A_136 = arith.constant 0 : i32
      %cond3A_137 = arith.cmpi ne, %convert_element_type3A_135, %cond3A_136 : i32
      scf.if %cond3A_137 {
      } else {
      }
      %rem3A_138 = arith.constant 2 : i32
      %rem3A_139 = arith.remui %scan3A, %rem3A_138 : i32
      %rem3A_140 = arith.constant 2 : i32
      %rem3A_141 = arith.remui %scan3A_63, %rem3A_140 : i32
      %run_scoped3A_142 = arith.constant 0 : i32
      "tpu.trace_start"() <{level = 10 : i32, message = "ep_run_kernel"}> : () -> ()
      "tpu.region"() ({
        %run_scoped3A_266 = tpu.sem_alloc : memref<!tpu.dma_semaphore, #tpu.memory_space<semaphore_mem>>
        %dma_start3A_267 = arith.constant 0 : i32
        %dma_start3A_268 = arith.constant 0 : i32
        %dma_start3A_269 = tpu.memref_slice %run_scoped3A_8[%rem3A_141, %dma_start3A_267, %dma_start3A_268] : memref<2x128x256xf32, #tpu.memory_space<vmem>> -> memref<1x128x256xf32, #tpu.memory_space<vmem>>
        %dma_start3A_270 = tpu.memref_squeeze %dma_start3A_269 : memref<1x128x256xf32, #tpu.memory_space<vmem>> -> memref<128x256xf32, #tpu.memory_space<vmem>>
        %dma_start3A_271 = arith.constant 0 : i32
        %dma_start3A_272 = arith.constant 0 : i32
        %dma_start3A_273 = tpu.memref_slice %run_scoped3A[%rem3A_139, %dma_start3A_271, %dma_start3A_272] : memref<2x1x128xi32, #tpu.memory_space<vmem>> -> memref<1x1x128xi32, #tpu.memory_space<vmem>>
        %dma_start3A_274 = tpu.memref_squeeze %dma_start3A_273 : memref<1x1x128xi32, #tpu.memory_space<vmem>> -> memref<1x128xi32, #tpu.memory_space<vmem>>
        %dma_start3A_275 = arith.constant 0 : i32
        %dma_start3A_276 = tpu.memref_slice %dma_start3A_274[%run_scoped3A_142, %dma_start3A_275] : memref<1x128xi32, #tpu.memory_space<vmem>> -> memref<1x128xi32, #tpu.memory_space<vmem>>
        %dma_start3A_277 = tpu.memref_squeeze %dma_start3A_276 : memref<1x128xi32, #tpu.memory_space<vmem>> -> memref<128xi32, #tpu.memory_space<vmem>>
        %dma_start3A_278 = arith.constant 0 : i32
        %dma_start3A_279 = arith.constant 0 : i32
        %dma_start3A_280 = tpu.memref_slice %arg2[%dma_start3A_278, %dma_start3A_279] : memref<100000x256xf32, #tpu.memory_space<hbm>> -> memref<100000x256xf32, #tpu.memory_space<hbm>>
        tpu.enqueue_indirect_dma source(%dma_start3A_280 : memref<100000x256xf32, #tpu.memory_space<hbm>>) target(%dma_start3A_270 : memref<128x256xf32, #tpu.memory_space<vmem>>) offsets(%dma_start3A_277 : memref<128xi32, #tpu.memory_space<vmem>>) semaphore(%run_scoped3A_266 : memref<!tpu.dma_semaphore, #tpu.memory_space<semaphore_mem>>)
        %dma_wait3A_281 = arith.constant 0 : i32
        %dma_wait3A_282 = arith.constant 0 : i32
        %dma_wait3A_283 = tpu.memref_slice %run_scoped3A_8[%rem3A_141, %dma_wait3A_281, %dma_wait3A_282] : memref<2x128x256xf32, #tpu.memory_space<vmem>> -> memref<1x128x256xf32, #tpu.memory_space<vmem>>
        %dma_wait3A_284 = tpu.memref_squeeze %dma_wait3A_283 : memref<1x128x256xf32, #tpu.memory_space<vmem>> -> memref<128x256xf32, #tpu.memory_space<vmem>>
        %dma_wait3A_285 = arith.constant 0 : i32
        %dma_wait3A_286 = arith.constant 0 : i32
        %dma_wait3A_287 = tpu.memref_slice %run_scoped3A[%rem3A_139, %dma_wait3A_285, %dma_wait3A_286] : memref<2x1x128xi32, #tpu.memory_space<vmem>> -> memref<1x1x128xi32, #tpu.memory_space<vmem>>
        %dma_wait3A_288 = tpu.memref_squeeze %dma_wait3A_287 : memref<1x1x128xi32, #tpu.memory_space<vmem>> -> memref<1x128xi32, #tpu.memory_space<vmem>>
        %dma_wait3A_289 = arith.constant 0 : i32
        %dma_wait3A_290 = tpu.memref_slice %dma_wait3A_288[%run_scoped3A_142, %dma_wait3A_289] : memref<1x128xi32, #tpu.memory_space<vmem>> -> memref<1x128xi32, #tpu.memory_space<vmem>>
        %dma_wait3A_291 = tpu.memref_squeeze %dma_wait3A_290 : memref<1x128xi32, #tpu.memory_space<vmem>> -> memref<128xi32, #tpu.memory_space<vmem>>
        %dma_wait3A_292 = arith.constant 0 : i32
        %dma_wait3A_293 = arith.constant 0 : i32
        %dma_wait3A_294 = tpu.memref_slice %arg2[%dma_wait3A_292, %dma_wait3A_293] : memref<100000x256xf32, #tpu.memory_space<hbm>> -> memref<100000x256xf32, #tpu.memory_space<hbm>>
        tpu.wait_indirect_dma semaphore(%run_scoped3A_266 : memref<!tpu.dma_semaphore, #tpu.memory_space<semaphore_mem>>) src(%dma_wait3A_294 : memref<100000x256xf32, #tpu.memory_space<hbm>>) dst(%dma_wait3A_284 : memref<128x256xf32, #tpu.memory_space<vmem>>)
        tpu.yield
      }) : () -> ()
      "tpu.trace_stop"() : () -> ()
      %ne3A_143 = arith.cmpi ne, %add3A_72, %add3A_92 : i32
      %or3A_144 = arith.constant false
      %or3A_145 = arith.ori %or3A_144, %ne3A_143 : i1
      %or3A_146 = arith.ori %or3A_145, %eq3A_70 : i1
      %convert_element_type3A_147 = arith.extui %or3A_146 : i1 to i32
      %cond3A_148 = arith.constant 0 : i32
      %cond3A_149 = arith.cmpi ne, %convert_element_type3A_147, %cond3A_148 : i32
      scf.if %cond3A_149 {
      } else {
      }
      %and3A_150 = arith.constant false
      %and3A_151 = arith.andi %or3A_146, %and3A_150 : i1
      %ne3A_152 = arith.cmpi ne, %add3A_72, %add3A_92 : i32
      %or3A_153 = arith.constant false
      %or3A_154 = arith.ori %or3A_153, %ne3A_152 : i1
      %or3A_155 = arith.constant false
      %or3A_156 = arith.ori %or3A_154, %or3A_155 : i1
      %or3A_157 = arith.ori %or3A_156, %eq3A_70 : i1
      %convert_element_type3A_158 = arith.extui %or3A_157 : i1 to i32
      %cond3A_159 = arith.constant 0 : i32
      %cond3A_160 = arith.cmpi ne, %convert_element_type3A_158, %cond3A_159 : i32
      scf.if %cond3A_160 {
        "tpu.trace_start"() <{level = 10 : i32, message = "ep_copy_out"}> : () -> ()
        %rem3A_266 = arith.constant 2 : i32
        %rem3A_267 = arith.remui %scan3A_63, %rem3A_266 : i32
        %mul3A_268 = arith.constant 128 : i32
        %mul3A_269 = arith.muli %mul3A_268, %add3A_72 : i32
        %dma_start3A_270 = arith.constant 0 : i32
        %dma_start3A_271 = arith.constant 0 : i32
        %dma_start3A_272 = tpu.memref_slice %run_scoped3A_8[%rem3A_267, %dma_start3A_270, %dma_start3A_271] : memref<2x128x256xf32, #tpu.memory_space<vmem>> -> memref<1x128x256xf32, #tpu.memory_space<vmem>>
        %dma_start3A_273 = tpu.memref_squeeze %dma_start3A_272 : memref<1x128x256xf32, #tpu.memory_space<vmem>> -> memref<128x256xf32, #tpu.memory_space<vmem>>
        %dma_start3A_274 = arith.constant 0 : i32
        %dma_start3A_275 = tpu.memref_slice %arg4[%mul3A_269, %dma_start3A_274] : memref<4096x256xf32, #tpu.memory_space<hbm>> -> memref<128x256xf32, #tpu.memory_space<hbm>>
        %dma_start3A_276 = tpu.memref_slice %run_scoped3A_9[%rem3A_267] : memref<2x!tpu.dma_semaphore, #tpu.memory_space<semaphore_mem>> -> memref<1x!tpu.dma_semaphore, #tpu.memory_space<semaphore_mem>>
        %dma_start3A_277 = tpu.memref_squeeze %dma_start3A_276 : memref<1x!tpu.dma_semaphore, #tpu.memory_space<semaphore_mem>> -> memref<!tpu.dma_semaphore, #tpu.memory_space<semaphore_mem>>
        %dma_start3A_278 = arith.constant 0 : i32
        %dma_start3A_279 = tpu.memref_slice %arg4[%mul3A_269, %dma_start3A_278] : memref<4096x256xf32, #tpu.memory_space<hbm>> -> memref<128x256xf32, #tpu.memory_space<hbm>>
        %dma_start3A_280 = arith.constant 0 : i32
        %dma_start3A_281 = arith.constant 0 : i32
        %dma_start3A_282 = tpu.memref_slice %run_scoped3A_8[%rem3A_267, %dma_start3A_280, %dma_start3A_281] : memref<2x128x256xf32, #tpu.memory_space<vmem>> -> memref<1x128x256xf32, #tpu.memory_space<vmem>>
        %dma_start3A_283 = tpu.memref_squeeze %dma_start3A_282 : memref<1x128x256xf32, #tpu.memory_space<vmem>> -> memref<128x256xf32, #tpu.memory_space<vmem>>
        tpu.enqueue_dma source(%dma_start3A_283 : memref<128x256xf32, #tpu.memory_space<vmem>>) target(%dma_start3A_279 : memref<128x256xf32, #tpu.memory_space<hbm>>) target_semaphore(%dma_start3A_277 : memref<!tpu.dma_semaphore, #tpu.memory_space<semaphore_mem>>)
        "tpu.trace_stop"() : () -> ()
      } else {
      }
      %and3A_161 = arith.constant true
      %and3A_162 = arith.andi %or3A_157, %and3A_161 : i1
      %add3A_163 = arith.constant 1 : i32
      %add3A_164 = arith.addi %scan3A_63, %add3A_163 : i32
      %select_n3A_165 = arith.select %and3A_162, %add3A_164, %scan3A_63 : i32
      %ne3A_166 = arith.cmpi ne, %add3A_72, %add3A_82 : i32
      %or3A_167 = arith.constant false
      %or3A_168 = arith.ori %or3A_167, %ne3A_166 : i1
      %not3A_169 = arith.constant true
      %not3A_170 = arith.xori %eq3A_68, %not3A_169 : i1
      %and3A_171 = arith.andi %or3A_168, %not3A_170 : i1
      %convert_element_type3A_172 = arith.extui %and3A_171 : i1 to i32
      %cond3A_173 = arith.constant 0 : i32
      %cond3A_174 = arith.cmpi ne, %convert_element_type3A_172, %cond3A_173 : i32
      scf.if %cond3A_174 {
      } else {
      }
      %and3A_175 = arith.constant false
      %and3A_176 = arith.andi %and3A_171, %and3A_175 : i1
      %ne3A_177 = arith.cmpi ne, %add3A_72, %add3A_82 : i32
      %or3A_178 = arith.constant false
      %or3A_179 = arith.ori %or3A_178, %ne3A_177 : i1
      %or3A_180 = arith.constant false
      %or3A_181 = arith.ori %or3A_179, %or3A_180 : i1
      %not3A_182 = arith.constant true
      %not3A_183 = arith.xori %eq3A_68, %not3A_182 : i1
      %and3A_184 = arith.andi %or3A_181, %not3A_183 : i1
      %convert_element_type3A_185 = arith.extui %and3A_184 : i1 to i32
      %cond3A_186 = arith.constant 0 : i32
      %cond3A_187 = arith.cmpi ne, %convert_element_type3A_185, %cond3A_186 : i32
      scf.if %cond3A_187 {
        "tpu.trace_start"() <{level = 10 : i32, message = "ep_wait_out"}> : () -> ()
        %rem3A_266 = arith.constant 2 : i32
        %rem3A_267 = arith.remui %scan3A_64, %rem3A_266 : i32
        %mul3A_268 = arith.constant 128 : i32
        %mul3A_269 = arith.muli %mul3A_268, %add3A_82 : i32
        %dma_wait3A_270 = arith.constant 0 : i32
        %dma_wait3A_271 = arith.constant 0 : i32
        %dma_wait3A_272 = tpu.memref_slice %run_scoped3A_8[%rem3A_267, %dma_wait3A_270, %dma_wait3A_271] : memref<2x128x256xf32, #tpu.memory_space<vmem>> -> memref<1x128x256xf32, #tpu.memory_space<vmem>>
        %dma_wait3A_273 = tpu.memref_squeeze %dma_wait3A_272 : memref<1x128x256xf32, #tpu.memory_space<vmem>> -> memref<128x256xf32, #tpu.memory_space<vmem>>
        %dma_wait3A_274 = arith.constant 0 : i32
        %dma_wait3A_275 = tpu.memref_slice %arg4[%mul3A_269, %dma_wait3A_274] : memref<4096x256xf32, #tpu.memory_space<hbm>> -> memref<128x256xf32, #tpu.memory_space<hbm>>
        %dma_wait3A_276 = tpu.memref_slice %run_scoped3A_9[%rem3A_267] : memref<2x!tpu.dma_semaphore, #tpu.memory_space<semaphore_mem>> -> memref<1x!tpu.dma_semaphore, #tpu.memory_space<semaphore_mem>>
        %dma_wait3A_277 = tpu.memref_squeeze %dma_wait3A_276 : memref<1x!tpu.dma_semaphore, #tpu.memory_space<semaphore_mem>> -> memref<!tpu.dma_semaphore, #tpu.memory_space<semaphore_mem>>
        %dma_wait3A_278 = arith.constant 0 : i32
        %dma_wait3A_279 = tpu.memref_slice %arg4[%mul3A_269, %dma_wait3A_278] : memref<4096x256xf32, #tpu.memory_space<hbm>> -> memref<128x256xf32, #tpu.memory_space<hbm>>
        %dma_wait3A_280 = arith.constant 0 : i32
        %dma_wait3A_281 = arith.constant 0 : i32
        %dma_wait3A_282 = tpu.memref_slice %run_scoped3A_8[%rem3A_267, %dma_wait3A_280, %dma_wait3A_281] : memref<2x128x256xf32, #tpu.memory_space<vmem>> -> memref<1x128x256xf32, #tpu.memory_space<vmem>>
        %dma_wait3A_283 = tpu.memref_squeeze %dma_wait3A_282 : memref<1x128x256xf32, #tpu.memory_space<vmem>> -> memref<128x256xf32, #tpu.memory_space<vmem>>
        tpu.wait_dma2 semaphore(%dma_wait3A_277 : memref<!tpu.dma_semaphore, #tpu.memory_space<semaphore_mem>>) src(%dma_wait3A_283 : memref<128x256xf32, #tpu.memory_space<vmem>>) dst(%dma_wait3A_279 : memref<128x256xf32, #tpu.memory_space<hbm>>)
        "tpu.trace_stop"() : () -> ()
      } else {
      }
      %and3A_188 = arith.constant true
      %and3A_189 = arith.andi %and3A_184, %and3A_188 : i1
      %add3A_190 = arith.constant 1 : i32
      %add3A_191 = arith.addi %scan3A_64, %add3A_190 : i32
      %select_n3A_192 = arith.select %and3A_189, %add3A_191, %scan3A_64 : i32
      %ne3A_193 = arith.cmpi ne, %add3A_72, %add3A_92 : i32
      %or3A_194 = arith.constant false
      %or3A_195 = arith.ori %or3A_194, %ne3A_193 : i1
      %or3A_196 = arith.ori %or3A_195, %eq3A_70 : i1
      %add3A_197 = arith.constant 1 : i32
      %add3A_198 = arith.addi %scan3A, %add3A_197 : i32
      %select_n3A_199 = arith.select %or3A_196, %add3A_198, %scan3A : i32
      %select_n3A_200 = arith.constant true
      %select_n3A_201 = arith.constant 0 : i32
      %select_n3A_202 = arith.constant 1 : i32
      %select_n3A_203 = arith.select %select_n3A_200, %select_n3A_202, %select_n3A_201 : i32
      %eq3A_204 = arith.constant 1 : i32
      %eq3A_205 = arith.cmpi eq, %select_n3A_203, %eq3A_204 : i32
      %select_n3A_206 = arith.constant 0 : i32
      %select_n3A_207 = arith.select %eq3A_205, %select_n3A_206, %select_n3A_203 : i32
      %scan3A_208 = arith.constant 0 : i32
      %scan3A_209 = arith.constant 1 : i32
      %sub3A = arith.constant 1 : i32
      %sub3A_210 = arith.subi %scan3A_208, %sub3A : i32
      %select_n3A_211 = arith.constant true
      %select_n3A_212 = arith.select %select_n3A_211, %sub3A_210, %scan3A_208 : i32
      %eq3A_213 = arith.constant -1 : i32
      %eq3A_214 = arith.cmpi eq, %select_n3A_212, %eq3A_213 : i32
      %select_n3A_215 = arith.constant 0 : i32
      %select_n3A_216 = arith.select %eq3A_214, %select_n3A_215, %select_n3A_212 : i32
      %add3A_217 = arith.constant 0 : i32
      %add3A_218 = arith.addi %add3A_217, %mul3A_6 : i32
      %select_n3A_219 = arith.constant true
      %select_n3A_220 = arith.constant 0 : i32
      %select_n3A_221 = arith.constant -1 : i32
      %select_n3A_222 = arith.select %select_n3A_219, %select_n3A_221, %select_n3A_220 : i32
      %eq3A_223 = arith.constant -1 : i32
      %eq3A_224 = arith.cmpi eq, %select_n3A_222, %eq3A_223 : i32
      %select_n3A_225 = arith.constant 0 : i32
      %select_n3A_226 = arith.select %eq3A_224, %select_n3A_225, %select_n3A_222 : i32
      %add3A_227 = arith.constant 0 : i32
      %add3A_228 = arith.addi %add3A_227, %mul3A_6 : i32
      %select_n3A_229 = arith.constant true
      %select_n3A_230 = arith.constant 0 : i32
      %select_n3A_231 = arith.constant 1 : i32
      %select_n3A_232 = arith.select %select_n3A_229, %select_n3A_231, %select_n3A_230 : i32
      %eq3A_233 = arith.constant 1 : i32
      %eq3A_234 = arith.cmpi eq, %select_n3A_232, %eq3A_233 : i32
      %select_n3A_235 = arith.constant 0 : i32
      %select_n3A_236 = arith.select %eq3A_234, %select_n3A_235, %select_n3A_232 : i32
      %add3A_237 = arith.constant 0 : i32
      %add3A_238 = arith.addi %add3A_237, %mul3A_6 : i32
      %select_n3A_239 = arith.constant true
      %select_n3A_240 = arith.constant 0 : i32
      %select_n3A_241 = arith.constant 1 : i32
      %select_n3A_242 = arith.select %select_n3A_239, %select_n3A_241, %select_n3A_240 : i32
      %eq3A_243 = arith.constant 1 : i32
      %eq3A_244 = arith.cmpi eq, %select_n3A_242, %eq3A_243 : i32
      %select_n3A_245 = arith.constant 0 : i32
      %select_n3A_246 = arith.select %eq3A_244, %select_n3A_245, %select_n3A_242 : i32
      %add3A_247 = arith.constant 0 : i32
      %add3A_248 = arith.addi %add3A_247, %mul3A_6 : i32
      "tpu.trace_start"() <{level = 10 : i32, message = "ep_finalize"}> : () -> ()
      %rem3A_249 = arith.constant 2 : i32
      %rem3A_250 = arith.remui %select_n3A_192, %rem3A_249 : i32
      %mul3A_251 = arith.constant 128 : i32
      %mul3A_252 = arith.muli %mul3A_251, %add3A_218 : i32
      %dma_wait3A = arith.constant 0 : i32
      %dma_wait3A_253 = arith.constant 0 : i32
      %dma_wait3A_254 = tpu.memref_slice %run_scoped3A_8[%rem3A_250, %dma_wait3A, %dma_wait3A_253] : memref<2x128x256xf32, #tpu.memory_space<vmem>> -> memref<1x128x256xf32, #tpu.memory_space<vmem>>
      %dma_wait3A_255 = tpu.memref_squeeze %dma_wait3A_254 : memref<1x128x256xf32, #tpu.memory_space<vmem>> -> memref<128x256xf32, #tpu.memory_space<vmem>>
      %dma_wait3A_256 = arith.constant 0 : i32
      %dma_wait3A_257 = tpu.memref_slice %arg4[%mul3A_252, %dma_wait3A_256] : memref<4096x256xf32, #tpu.memory_space<hbm>> -> memref<128x256xf32, #tpu.memory_space<hbm>>
      %dma_wait3A_258 = tpu.memref_slice %run_scoped3A_9[%rem3A_250] : memref<2x!tpu.dma_semaphore, #tpu.memory_space<semaphore_mem>> -> memref<1x!tpu.dma_semaphore, #tpu.memory_space<semaphore_mem>>
      %dma_wait3A_259 = tpu.memref_squeeze %dma_wait3A_258 : memref<1x!tpu.dma_semaphore, #tpu.memory_space<semaphore_mem>> -> memref<!tpu.dma_semaphore, #tpu.memory_space<semaphore_mem>>
      %dma_wait3A_260 = arith.constant 0 : i32
      %dma_wait3A_261 = tpu.memref_slice %arg4[%mul3A_252, %dma_wait3A_260] : memref<4096x256xf32, #tpu.memory_space<hbm>> -> memref<128x256xf32, #tpu.memory_space<hbm>>
      %dma_wait3A_262 = arith.constant 0 : i32
      %dma_wait3A_263 = arith.constant 0 : i32
      %dma_wait3A_264 = tpu.memref_slice %run_scoped3A_8[%rem3A_250, %dma_wait3A_262, %dma_wait3A_263] : memref<2x128x256xf32, #tpu.memory_space<vmem>> -> memref<1x128x256xf32, #tpu.memory_space<vmem>>
      %dma_wait3A_265 = tpu.memref_squeeze %dma_wait3A_264 : memref<1x128x256xf32, #tpu.memory_space<vmem>> -> memref<128x256xf32, #tpu.memory_space<vmem>>
      tpu.wait_dma2 semaphore(%dma_wait3A_259 : memref<!tpu.dma_semaphore, #tpu.memory_space<semaphore_mem>>) src(%dma_wait3A_265 : memref<128x256xf32, #tpu.memory_space<vmem>>) dst(%dma_wait3A_261 : memref<128x256xf32, #tpu.memory_space<hbm>>)
      "tpu.trace_stop"() : () -> ()
      tpu.yield
    }) : () -> ()
    return
  }
}

module attributes {stable_mosaic.version = 14 : i64} {
  func.func @kern(%arg0: i32, %arg1: memref<1x2048x256xf32, #tpu.memory_space<vmem>>, %arg2: memref<2048x256xf32, #tpu.memory_space<vmem>>, %arg3: memref<1x256xf32, #tpu.memory_space<vmem>>, %arg4: memref<1x256xf32, #tpu.memory_space<vmem>>, %arg5: memref<1x2048x256xf32, #tpu.memory_space<vmem>>, %arg6: memref<1x2048x256xbf16, #tpu.memory_space<vmem>>) attributes {dimension_semantics = [#tpu.dimension_semantics<parallel>], iteration_bounds = array<i64: 2>, scalar_prefetch = 0 : i64, scratch_operands = 0 : i64, tpu.core_type = #tpu.core_type<tc>, window_params = [{transform_indices = @transform_0, window_bounds = array<i64: 1, 2048, 256>}, {pipeline_mode = #tpu.pipeline_mode<synchronous>, transform_indices = @transform_1, window_bounds = array<i64: 2048, 256>}, {pipeline_mode = #tpu.pipeline_mode<synchronous>, transform_indices = @transform_2, window_bounds = array<i64: 1, 256>}, {pipeline_mode = #tpu.pipeline_mode<synchronous>, transform_indices = @transform_3, window_bounds = array<i64: 1, 256>}, {transform_indices = @transform_4, window_bounds = array<i64: 1, 2048, 256>}, {transform_indices = @transform_5, window_bounds = array<i64: 1, 2048, 256>}]} {
    %get3A = arith.constant 0 : index
    %get3A_0 = arith.constant 0 : index
    %get3A_1 = arith.constant 0 : index
    %get3A_2 = vector.load %arg1[%get3A, %get3A_0, %get3A_1] : memref<1x2048x256xf32, #tpu.memory_space<vmem>>, vector<1x2048x256xf32>
    %get3A_3 = vector.shape_cast %get3A_2 : vector<1x2048x256xf32> to vector<2048x256xf32>
    %get3A_4 = arith.constant 0 : index
    %get3A_5 = arith.constant 0 : index
    %get3A_6 = vector.load %arg2[%get3A_4, %get3A_5] : memref<2048x256xf32, #tpu.memory_space<vmem>>, vector<2048x256xf32>
    %add3A = arith.addf %get3A_3, %get3A_6 : vector<2048x256xf32>
    %swap3A = arith.constant 0 : index
    %swap3A_7 = arith.constant 0 : index
    %swap3A_8 = arith.constant 0 : index
    %swap3A_9 = vector.load %arg5[%swap3A, %swap3A_7, %swap3A_8] : memref<1x2048x256xf32, #tpu.memory_space<vmem>>, vector<1x2048x256xf32>
    %swap3A_10 = vector.shape_cast %swap3A_9 : vector<1x2048x256xf32> to vector<2048x256xf32>
    %swap3A_11 = vector.shape_cast %add3A : vector<2048x256xf32> to vector<1x2048x256xf32>
    tpu.vector_store %arg5[%swap3A, %swap3A_7, %swap3A_8], %swap3A_11 {strides = array<i32>} : memref<1x2048x256xf32, #tpu.memory_space<vmem>>, vector<1x2048x256xf32>,
    %get3A_12 = arith.constant 0 : index
    %get3A_13 = arith.constant 0 : index
    %get3A_14 = vector.load %arg3[%get3A_12, %get3A_13] : memref<1x256xf32, #tpu.memory_space<vmem>>, vector<1x256xf32>
    %get3A_15 = arith.constant 0 : index
    %get3A_16 = arith.constant 0 : index
    %get3A_17 = vector.load %arg4[%get3A_15, %get3A_16] : memref<1x256xf32, #tpu.memory_space<vmem>>, vector<1x256xf32>
    %reduce_sum3A = arith.constant dense<0.000000e+00> : vector<2048xf32>
    %reduce_sum3A_18 = vector.multi_reduction <add>, %add3A, %reduce_sum3A [1] : vector<2048x256xf32> to vector<2048xf32>
    %broadcast_in_dim3A = vector.shape_cast %reduce_sum3A_18 : vector<2048xf32> to vector<2048x1xf32>
    %div3A = arith.constant 2.560000e+02 : f32
    %div3A_19 = vector.broadcast %div3A : f32 to vector<2048x1xf32>
    %div3A_20 = arith.divf %broadcast_in_dim3A, %div3A_19 : vector<2048x1xf32>
    %sub3A = vector.broadcast %div3A_20 : vector<2048x1xf32> to vector<2048x256xf32>
    %sub3A_21 = arith.subf %add3A, %sub3A : vector<2048x256xf32>
    %integer_pow3A = arith.mulf %sub3A_21, %sub3A_21 : vector<2048x256xf32>
    %reduce_sum3A_22 = arith.constant dense<0.000000e+00> : vector<2048xf32>
    %reduce_sum3A_23 = vector.multi_reduction <add>, %integer_pow3A, %reduce_sum3A_22 [1] : vector<2048x256xf32> to vector<2048xf32>
    %broadcast_in_dim3A_24 = vector.shape_cast %reduce_sum3A_23 : vector<2048xf32> to vector<2048x1xf32>
    %div3A_25 = arith.constant 2.560000e+02 : f32
    %div3A_26 = vector.broadcast %div3A_25 : f32 to vector<2048x1xf32>
    %div3A_27 = arith.divf %broadcast_in_dim3A_24, %div3A_26 : vector<2048x1xf32>
    %sub3A_28 = vector.broadcast %div3A_20 : vector<2048x1xf32> to vector<2048x256xf32>
    %sub3A_29 = arith.subf %add3A, %sub3A_28 : vector<2048x256xf32>
    %add3A_30 = arith.constant 9.99999974E-6 : f32
    %add3A_31 = vector.broadcast %add3A_30 : f32 to vector<2048x1xf32>
    %add3A_32 = arith.addf %div3A_27, %add3A_31 : vector<2048x1xf32>
    %rsqrt3A = math.rsqrt %add3A_32 : vector<2048x1xf32>
    %mul3A = vector.broadcast %rsqrt3A : vector<2048x1xf32> to vector<2048x256xf32>
    %mul3A_33 = arith.mulf %sub3A_29, %mul3A : vector<2048x256xf32>
    %mul3A_34 = vector.broadcast %get3A_14 : vector<1x256xf32> to vector<2048x256xf32>
    %mul3A_35 = arith.mulf %mul3A_33, %mul3A_34 : vector<2048x256xf32>
    %add3A_36 = vector.broadcast %get3A_17 : vector<1x256xf32> to vector<2048x256xf32>
    %add3A_37 = arith.addf %mul3A_35, %add3A_36 : vector<2048x256xf32>
    %convert_element_type3A = arith.truncf %add3A_37 : vector<2048x256xf32> to vector<2048x256xbf16>
    %swap3A_38 = arith.constant 0 : index
    %swap3A_39 = arith.constant 0 : index
    %swap3A_40 = arith.constant 0 : index
    %swap3A_41 = vector.load %arg6[%swap3A_38, %swap3A_39, %swap3A_40] : memref<1x2048x256xbf16, #tpu.memory_space<vmem>>, vector<1x2048x256xbf16>
    %swap3A_42 = vector.shape_cast %swap3A_41 : vector<1x2048x256xbf16> to vector<2048x256xbf16>
    %swap3A_43 = vector.shape_cast %convert_element_type3A : vector<2048x256xbf16> to vector<1x2048x256xbf16>
    tpu.vector_store %arg6[%swap3A_38, %swap3A_39, %swap3A_40], %swap3A_43 {strides = array<i32>} : memref<1x2048x256xbf16, #tpu.memory_space<vmem>>, vector<1x2048x256xbf16>,
    return
  }
  func.func @transform_0(%arg0: i32) -> (i32, i32, i32) {
    %c0_i32 = arith.constant 0 : i32
    %c0_i32_0 = arith.constant 0 : i32
    %c0_i32_1 = arith.constant 0 : i32
    return %arg0, %c0_i32, %c0_i32_0 : i32, i32, i32
  }
  func.func @transform_1(%arg0: i32) -> (i32, i32) {
    %c0_i32 = arith.constant 0 : i32
    %c0_i32_0 = arith.constant 0 : i32
    %c0_i32_1 = arith.constant 0 : i32
    return %c0_i32, %c0_i32_0 : i32, i32
  }
  func.func @transform_2(%arg0: i32) -> (i32, i32) {
    %c0_i32 = arith.constant 0 : i32
    %c0_i32_0 = arith.constant 0 : i32
    %c0_i32_1 = arith.constant 0 : i32
    return %c0_i32, %c0_i32_0 : i32, i32
  }
  func.func @transform_3(%arg0: i32) -> (i32, i32) {
    %c0_i32 = arith.constant 0 : i32
    %c0_i32_0 = arith.constant 0 : i32
    %c0_i32_1 = arith.constant 0 : i32
    return %c0_i32, %c0_i32_0 : i32, i32
  }
  func.func @transform_4(%arg0: i32) -> (i32, i32, i32) {
    %c0_i32 = arith.constant 0 : i32
    %c0_i32_0 = arith.constant 0 : i32
    %c0_i32_1 = arith.constant 0 : i32
    return %arg0, %c0_i32, %c0_i32_0 : i32, i32, i32
  }
  func.func @transform_5(%arg0: i32) -> (i32, i32, i32) {
    %c0_i32 = arith.constant 0 : i32
    %c0_i32_0 = arith.constant 0 : i32
    %c0_i32_1 = arith.constant 0 : i32
    return %arg0, %c0_i32, %c0_i32_0 : i32, i32, i32
  }
}

module attributes {stable_mosaic.version = 14 : i64} {
  func.func @kern(%arg0: i32, %arg1: memref<2x2048x256xbf16, #tpu.memory_space<vmem>>, %arg2: memref<1x256x64xf32, #tpu.memory_space<vmem>>, %arg3: memref<1x256x128xf32, #tpu.memory_space<vmem>>, %arg4: memref<2x1x2048x64xbf16, #tpu.memory_space<vmem>>) attributes {dimension_semantics = [#tpu.dimension_semantics<parallel>], iteration_bounds = array<i64: 4>, scalar_prefetch = 0 : i64, scratch_operands = 0 : i64, tpu.core_type = #tpu.core_type<tc>, window_params = [{pipeline_mode = #tpu.pipeline_mode<synchronous>, transform_indices = @transform_0, window_bounds = array<i64: 2, 2048, 256>}, {transform_indices = @transform_1, window_bounds = array<i64: 1, 256, 64>}, {transform_indices = @transform_2, window_bounds = array<i64: 1, 256, 128>}, {transform_indices = @transform_3, window_bounds = array<i64: 2, 1, 2048, 64>}]} {
    %get3A = arith.constant 0 : index
    %get3A_0 = arith.constant 0 : index
    %get3A_1 = arith.constant 0 : index
    %get3A_2 = vector.load %arg1[%get3A, %get3A_0, %get3A_1] : memref<2x2048x256xbf16, #tpu.memory_space<vmem>>, vector<1x2048x256xbf16>
    %get3A_3 = vector.shape_cast %get3A_2 : vector<1x2048x256xbf16> to vector<2048x256xbf16>
    %get3A_4 = arith.constant 0 : index
    %get3A_5 = arith.constant 0 : index
    %get3A_6 = arith.constant 0 : index
    %get3A_7 = vector.load %arg2[%get3A_4, %get3A_5, %get3A_6] : memref<1x256x64xf32, #tpu.memory_space<vmem>>, vector<1x256x64xf32>
    %get3A_8 = vector.shape_cast %get3A_7 : vector<1x256x64xf32> to vector<256x64xf32>
    %convert_element_type3A = arith.truncf %get3A_8 : vector<256x64xf32> to vector<256x64xbf16>
    %dot_general3A = arith.constant dense<0.000000e+00> : vector<2048x64xf32>
    %dot_general3A_9 = tpu.matmul %get3A_3, %convert_element_type3A, %dot_general3A {dimension_numbers = #tpu.dot_dimension_numbers<[1], [0], [0], [1], [0, 0, 1, 1], [], []>, transpose_lhs_hint = false} : vector<2048x256xbf16>, vector<256x64xbf16>, vector<2048x64xf32> -> vector<2048x64xf32>
    %get3A_10 = arith.constant 0 : index
    %get3A_11 = arith.constant 0 : index
    %get3A_12 = arith.constant 0 : index
    %get3A_13 = vector.load %arg3[%get3A_10, %get3A_11, %get3A_12] : memref<1x256x128xf32, #tpu.memory_space<vmem>>, vector<1x256x128xf32>
    %get3A_14 = vector.shape_cast %get3A_13 : vector<1x256x128xf32> to vector<256x128xf32>
    %convert_element_type3A_15 = arith.truncf %get3A_14 : vector<256x128xf32> to vector<256x128xbf16>
    %dot_general3A_16 = arith.constant dense<0.000000e+00> : vector<2048x128xf32>
    %dot_general3A_17 = tpu.matmul %get3A_3, %convert_element_type3A_15, %dot_general3A_16 {dimension_numbers = #tpu.dot_dimension_numbers<[1], [0], [0], [1], [0, 0, 1, 1], [], []>, transpose_lhs_hint = false} : vector<2048x256xbf16>, vector<256x128xbf16>, vector<2048x128xf32> -> vector<2048x128xf32>
    %broadcast_in_dim3A = arith.constant 0.000000e+00 : f32
    %broadcast_in_dim3A_18 = vector.broadcast %broadcast_in_dim3A : f32 to vector<1x64xf32>
    %broadcast_in_dim3A_19 = arith.constant 1.000000e+00 : f32
    %broadcast_in_dim3A_20 = vector.broadcast %broadcast_in_dim3A_19 : f32 to vector<1x64xf32>
    %concatenate3A = tpu.concatenate %broadcast_in_dim3A_18, %broadcast_in_dim3A_20 in 1 : vector<1x64xf32>, vector<1x64xf32> -> vector<1x128xf32>
    %add3A = vector.broadcast %concatenate3A : vector<1x128xf32> to vector<2048x128xf32>
    %add3A_21 = arith.addf %dot_general3A_17, %add3A : vector<2048x128xf32>
    %mul3A = arith.mulf %dot_general3A_9, %dot_general3A_9 : vector<2048x64xf32>
    %reduce_sum3A = arith.constant dense<0.000000e+00> : vector<2048xf32>
    %reduce_sum3A_22 = vector.multi_reduction <add>, %mul3A, %reduce_sum3A [1] : vector<2048x64xf32> to vector<2048xf32>
    %broadcast_in_dim3A_23 = vector.shape_cast %reduce_sum3A_22 : vector<2048xf32> to vector<2048x1xf32>
    %sqrt3A = math.sqrt %broadcast_in_dim3A_23 : vector<2048x1xf32>
    %max3A = arith.constant 9.99999982E-14 : f32
    %max3A_24 = vector.broadcast %max3A : f32 to vector<2048x1xf32>
    %max3A_25 = arith.maximumf %sqrt3A, %max3A_24 : vector<2048x1xf32>
    %div3A = vector.broadcast %max3A_25 : vector<2048x1xf32> to vector<2048x64xf32>
    %div3A_26 = arith.divf %dot_general3A_9, %div3A : vector<2048x64xf32>
    %convert_element_type3A_27 = arith.truncf %div3A_26 : vector<2048x64xf32> to vector<2048x64xbf16>
    %convert_element_type3A_28 = arith.truncf %dot_general3A_9 : vector<2048x64xf32> to vector<2048x64xbf16>
    %dot_general3A_29 = arith.constant dense<0.000000e+00> : vector<2048x2048xf32>
    %dot_general3A_30 = tpu.matmul %convert_element_type3A_28, %convert_element_type3A_27, %dot_general3A_29 {dimension_numbers = #tpu.dot_dimension_numbers<[1], [1], [0], [0], [0, 0, 1, 0], [], []>, transpose_lhs_hint = false} : vector<2048x64xbf16>, vector<2048x64xbf16>, vector<2048x2048xf32> -> vector<2048x2048xf32>
    %convert_element_type3A_31 = arith.truncf %dot_general3A_30 : vector<2048x2048xf32> to vector<2048x2048xbf16>
    %exp3A = math.exp %convert_element_type3A_31 : vector<2048x2048xbf16>
    %convert_element_type3A_32 = arith.truncf %add3A_21 : vector<2048x128xf32> to vector<2048x128xbf16>
    %dot_general3A_33 = arith.constant dense<0.000000e+00> : vector<2048x128xf32>
    %dot_general3A_34 = tpu.matmul %exp3A, %convert_element_type3A_32, %dot_general3A_33 {dimension_numbers = #tpu.dot_dimension_numbers<[1], [0], [0], [1], [0, 0, 1, 1], [], []>, transpose_lhs_hint = false} : vector<2048x2048xbf16>, vector<2048x128xbf16>, vector<2048x128xf32> -> vector<2048x128xf32>
    %exp3A_35 = math.exp %sqrt3A : vector<2048x1xf32>
    %slice3A = vector.extract_strided_slice %dot_general3A_34 {offsets = [0, 0], sizes = [2048, 64], strides = [1, 1]} : vector<2048x128xf32> to vector<2048x64xf32>
    %slice3A_36 = vector.extract_strided_slice %add3A_21 {offsets = [0, 0], sizes = [2048, 64], strides = [1, 1]} : vector<2048x128xf32> to vector<2048x64xf32>
    %mul3A_37 = vector.broadcast %exp3A_35 : vector<2048x1xf32> to vector<2048x64xf32>
    %mul3A_38 = arith.mulf %mul3A_37, %slice3A_36 : vector<2048x64xf32>
    %sub3A = arith.subf %slice3A, %mul3A_38 : vector<2048x64xf32>
    %slice3A_39 = vector.extract_strided_slice %dot_general3A_34 {offsets = [0, 64], sizes = [2048, 1], strides = [1, 1]} : vector<2048x128xf32> to vector<2048x1xf32>
    %sub3A_40 = arith.subf %slice3A_39, %exp3A_35 : vector<2048x1xf32>
    %div3A_41 = vector.broadcast %sub3A_40 : vector<2048x1xf32> to vector<2048x64xf32>
    %div3A_42 = arith.divf %sub3A, %div3A_41 : vector<2048x64xf32>
    %convert_element_type3A_43 = arith.truncf %div3A_42 : vector<2048x64xf32> to vector<2048x64xbf16>
    %swap3A = arith.constant 0 : index
    %swap3A_44 = arith.constant 0 : index
    %swap3A_45 = arith.constant 0 : index
    %swap3A_46 = arith.constant 0 : index
    %swap3A_47 = vector.load %arg4[%swap3A, %swap3A_44, %swap3A_45, %swap3A_46] : memref<2x1x2048x64xbf16, #tpu.memory_space<vmem>>, vector<1x1x2048x64xbf16>
    %swap3A_48 = vector.shape_cast %swap3A_47 : vector<1x1x2048x64xbf16> to vector<2048x64xbf16>
    %swap3A_49 = vector.shape_cast %convert_element_type3A_43 : vector<2048x64xbf16> to vector<1x1x2048x64xbf16>
    tpu.vector_store %arg4[%swap3A, %swap3A_44, %swap3A_45, %swap3A_46], %swap3A_49 {strides = array<i32>} : memref<2x1x2048x64xbf16, #tpu.memory_space<vmem>>, vector<1x1x2048x64xbf16>,
    %get3A_50 = arith.constant 1 : index
    %get3A_51 = arith.constant 0 : index
    %get3A_52 = arith.constant 0 : index
    %get3A_53 = vector.load %arg1[%get3A_50, %get3A_51, %get3A_52] : memref<2x2048x256xbf16, #tpu.memory_space<vmem>>, vector<1x2048x256xbf16>
    %get3A_54 = vector.shape_cast %get3A_53 : vector<1x2048x256xbf16> to vector<2048x256xbf16>
    %get3A_55 = arith.constant 0 : index
    %get3A_56 = arith.constant 0 : index
    %get3A_57 = arith.constant 0 : index
    %get3A_58 = vector.load %arg2[%get3A_55, %get3A_56, %get3A_57] : memref<1x256x64xf32, #tpu.memory_space<vmem>>, vector<1x256x64xf32>
    %get3A_59 = vector.shape_cast %get3A_58 : vector<1x256x64xf32> to vector<256x64xf32>
    %convert_element_type3A_60 = arith.truncf %get3A_59 : vector<256x64xf32> to vector<256x64xbf16>
    %dot_general3A_61 = arith.constant dense<0.000000e+00> : vector<2048x64xf32>
    %dot_general3A_62 = tpu.matmul %get3A_54, %convert_element_type3A_60, %dot_general3A_61 {dimension_numbers = #tpu.dot_dimension_numbers<[1], [0], [0], [1], [0, 0, 1, 1], [], []>, transpose_lhs_hint = false} : vector<2048x256xbf16>, vector<256x64xbf16>, vector<2048x64xf32> -> vector<2048x64xf32>
    %get3A_63 = arith.constant 0 : index
    %get3A_64 = arith.constant 0 : index
    %get3A_65 = arith.constant 0 : index
    %get3A_66 = vector.load %arg3[%get3A_63, %get3A_64, %get3A_65] : memref<1x256x128xf32, #tpu.memory_space<vmem>>, vector<1x256x128xf32>
    %get3A_67 = vector.shape_cast %get3A_66 : vector<1x256x128xf32> to vector<256x128xf32>
    %convert_element_type3A_68 = arith.truncf %get3A_67 : vector<256x128xf32> to vector<256x128xbf16>
    %dot_general3A_69 = arith.constant dense<0.000000e+00> : vector<2048x128xf32>
    %dot_general3A_70 = tpu.matmul %get3A_54, %convert_element_type3A_68, %dot_general3A_69 {dimension_numbers = #tpu.dot_dimension_numbers<[1], [0], [0], [1], [0, 0, 1, 1], [], []>, transpose_lhs_hint = false} : vector<2048x256xbf16>, vector<256x128xbf16>, vector<2048x128xf32> -> vector<2048x128xf32>
    %broadcast_in_dim3A_71 = arith.constant 0.000000e+00 : f32
    %broadcast_in_dim3A_72 = vector.broadcast %broadcast_in_dim3A_71 : f32 to vector<1x64xf32>
    %broadcast_in_dim3A_73 = arith.constant 1.000000e+00 : f32
    %broadcast_in_dim3A_74 = vector.broadcast %broadcast_in_dim3A_73 : f32 to vector<1x64xf32>
    %concatenate3A_75 = tpu.concatenate %broadcast_in_dim3A_72, %broadcast_in_dim3A_74 in 1 : vector<1x64xf32>, vector<1x64xf32> -> vector<1x128xf32>
    %add3A_76 = vector.broadcast %concatenate3A_75 : vector<1x128xf32> to vector<2048x128xf32>
    %add3A_77 = arith.addf %dot_general3A_70, %add3A_76 : vector<2048x128xf32>
    %mul3A_78 = arith.mulf %dot_general3A_62, %dot_general3A_62 : vector<2048x64xf32>
    %reduce_sum3A_79 = arith.constant dense<0.000000e+00> : vector<2048xf32>
    %reduce_sum3A_80 = vector.multi_reduction <add>, %mul3A_78, %reduce_sum3A_79 [1] : vector<2048x64xf32> to vector<2048xf32>
    %broadcast_in_dim3A_81 = vector.shape_cast %reduce_sum3A_80 : vector<2048xf32> to vector<2048x1xf32>
    %sqrt3A_82 = math.sqrt %broadcast_in_dim3A_81 : vector<2048x1xf32>
    %max3A_83 = arith.constant 9.99999982E-14 : f32
    %max3A_84 = vector.broadcast %max3A_83 : f32 to vector<2048x1xf32>
    %max3A_85 = arith.maximumf %sqrt3A_82, %max3A_84 : vector<2048x1xf32>
    %div3A_86 = vector.broadcast %max3A_85 : vector<2048x1xf32> to vector<2048x64xf32>
    %div3A_87 = arith.divf %dot_general3A_62, %div3A_86 : vector<2048x64xf32>
    %convert_element_type3A_88 = arith.truncf %div3A_87 : vector<2048x64xf32> to vector<2048x64xbf16>
    %convert_element_type3A_89 = arith.truncf %dot_general3A_62 : vector<2048x64xf32> to vector<2048x64xbf16>
    %dot_general3A_90 = arith.constant dense<0.000000e+00> : vector<2048x2048xf32>
    %dot_general3A_91 = tpu.matmul %convert_element_type3A_89, %convert_element_type3A_88, %dot_general3A_90 {dimension_numbers = #tpu.dot_dimension_numbers<[1], [1], [0], [0], [0, 0, 1, 0], [], []>, transpose_lhs_hint = false} : vector<2048x64xbf16>, vector<2048x64xbf16>, vector<2048x2048xf32> -> vector<2048x2048xf32>
    %convert_element_type3A_92 = arith.truncf %dot_general3A_91 : vector<2048x2048xf32> to vector<2048x2048xbf16>
    %exp3A_93 = math.exp %convert_element_type3A_92 : vector<2048x2048xbf16>
    %convert_element_type3A_94 = arith.truncf %add3A_77 : vector<2048x128xf32> to vector<2048x128xbf16>
    %dot_general3A_95 = arith.constant dense<0.000000e+00> : vector<2048x128xf32>
    %dot_general3A_96 = tpu.matmul %exp3A_93, %convert_element_type3A_94, %dot_general3A_95 {dimension_numbers = #tpu.dot_dimension_numbers<[1], [0], [0], [1], [0, 0, 1, 1], [], []>, transpose_lhs_hint = false} : vector<2048x2048xbf16>, vector<2048x128xbf16>, vector<2048x128xf32> -> vector<2048x128xf32>
    %exp3A_97 = math.exp %sqrt3A_82 : vector<2048x1xf32>
    %slice3A_98 = vector.extract_strided_slice %dot_general3A_96 {offsets = [0, 0], sizes = [2048, 64], strides = [1, 1]} : vector<2048x128xf32> to vector<2048x64xf32>
    %slice3A_99 = vector.extract_strided_slice %add3A_77 {offsets = [0, 0], sizes = [2048, 64], strides = [1, 1]} : vector<2048x128xf32> to vector<2048x64xf32>
    %mul3A_100 = vector.broadcast %exp3A_97 : vector<2048x1xf32> to vector<2048x64xf32>
    %mul3A_101 = arith.mulf %mul3A_100, %slice3A_99 : vector<2048x64xf32>
    %sub3A_102 = arith.subf %slice3A_98, %mul3A_101 : vector<2048x64xf32>
    %slice3A_103 = vector.extract_strided_slice %dot_general3A_96 {offsets = [0, 64], sizes = [2048, 1], strides = [1, 1]} : vector<2048x128xf32> to vector<2048x1xf32>
    %sub3A_104 = arith.subf %slice3A_103, %exp3A_97 : vector<2048x1xf32>
    %div3A_105 = vector.broadcast %sub3A_104 : vector<2048x1xf32> to vector<2048x64xf32>
    %div3A_106 = arith.divf %sub3A_102, %div3A_105 : vector<2048x64xf32>
    %convert_element_type3A_107 = arith.truncf %div3A_106 : vector<2048x64xf32> to vector<2048x64xbf16>
    %swap3A_108 = arith.constant 1 : index
    %swap3A_109 = arith.constant 0 : index
    %swap3A_110 = arith.constant 0 : index
    %swap3A_111 = arith.constant 0 : index
    %swap3A_112 = vector.load %arg4[%swap3A_108, %swap3A_109, %swap3A_110, %swap3A_111] : memref<2x1x2048x64xbf16, #tpu.memory_space<vmem>>, vector<1x1x2048x64xbf16>
    %swap3A_113 = vector.shape_cast %swap3A_112 : vector<1x1x2048x64xbf16> to vector<2048x64xbf16>
    %swap3A_114 = vector.shape_cast %convert_element_type3A_107 : vector<2048x64xbf16> to vector<1x1x2048x64xbf16>
    tpu.vector_store %arg4[%swap3A_108, %swap3A_109, %swap3A_110, %swap3A_111], %swap3A_114 {strides = array<i32>} : memref<2x1x2048x64xbf16, #tpu.memory_space<vmem>>, vector<1x1x2048x64xbf16>,
    return
  }
  func.func @transform_0(%arg0: i32) -> (i32, i32, i32) {
    %c0_i32 = arith.constant 0 : i32
    %c0_i32_0 = arith.constant 0 : i32
    %c0_i32_1 = arith.constant 0 : i32
    %c0_i32_2 = arith.constant 0 : i32
    return %c0_i32, %c0_i32_0, %c0_i32_1 : i32, i32, i32
  }
  func.func @transform_1(%arg0: i32) -> (i32, i32, i32) {
    %c0_i32 = arith.constant 0 : i32
    %c0_i32_0 = arith.constant 0 : i32
    %c0_i32_1 = arith.constant 0 : i32
    return %arg0, %c0_i32, %c0_i32_0 : i32, i32, i32
  }
  func.func @transform_2(%arg0: i32) -> (i32, i32, i32) {
    %c0_i32 = arith.constant 0 : i32
    %c0_i32_0 = arith.constant 0 : i32
    %c0_i32_1 = arith.constant 0 : i32
    return %arg0, %c0_i32, %c0_i32_0 : i32, i32, i32
  }
  func.func @transform_3(%arg0: i32) -> (i32, i32, i32, i32) {
    %c0_i32 = arith.constant 0 : i32
    %c0_i32_0 = arith.constant 0 : i32
    %c0_i32_1 = arith.constant 0 : i32
    %c0_i32_2 = arith.constant 0 : i32
    return %c0_i32, %arg0, %c0_i32_0, %c0_i32_1 : i32, i32, i32, i32
  }
}

module attributes {stable_mosaic.version = 14 : i64} {
  func.func @kern(%arg0: i32, %arg1: i32, %arg2: memref<1x1024x256xf32, #tpu.memory_space<vmem>>, %arg3: memref<1x1024x256xf32, #tpu.memory_space<vmem>>, %arg4: memref<1x4x1024x64xbf16, #tpu.memory_space<vmem>>, %arg5: memref<4x64x256xf32, #tpu.memory_space<vmem>>, %arg6: memref<1x256xf32, #tpu.memory_space<vmem>>, %arg7: memref<1x256xf32, #tpu.memory_space<vmem>>, %arg8: memref<1x256xf32, #tpu.memory_space<vmem>>, %arg9: memref<256x1024xf32, #tpu.memory_space<vmem>>, %arg10: memref<1x1024xf32, #tpu.memory_space<vmem>>, %arg11: memref<1024x256xf32, #tpu.memory_space<vmem>>, %arg12: memref<1x256xf32, #tpu.memory_space<vmem>>, %arg13: memref<1x256xf32, #tpu.memory_space<vmem>>, %arg14: memref<1x256xf32, #tpu.memory_space<vmem>>, %arg15: memref<1x1024x256xf32, #tpu.memory_space<vmem>>, %arg16: memref<1x1024x256xf32, #tpu.memory_space<vmem>>, %arg17: memref<1x1024x256xbf16, #tpu.memory_space<vmem>>) attributes {dimension_semantics = [#tpu.dimension_semantics<parallel>, #tpu.dimension_semantics<parallel>], iteration_bounds = array<i64: 2, 2>, scalar_prefetch = 0 : i64, scratch_operands = 0 : i64, tpu.core_type = #tpu.core_type<tc>, window_params = [{transform_indices = @transform_0, window_bounds = array<i64: 1, 1024, 256>}, {transform_indices = @transform_1, window_bounds = array<i64: 1, 1024, 256>}, {transform_indices = @transform_2, window_bounds = array<i64: 1, 4, 1024, 64>}, {pipeline_mode = #tpu.pipeline_mode<synchronous>, transform_indices = @transform_3, window_bounds = array<i64: 4, 64, 256>}, {pipeline_mode = #tpu.pipeline_mode<synchronous>, transform_indices = @transform_4, window_bounds = array<i64: 1, 256>}, {pipeline_mode = #tpu.pipeline_mode<synchronous>, transform_indices = @transform_5, window_bounds = array<i64: 1, 256>}, {pipeline_mode = #tpu.pipeline_mode<synchronous>, transform_indices = @transform_6, window_bounds = array<i64: 1, 256>}, {pipeline_mode = #tpu.pipeline_mode<synchronous>, transform_indices = @transform_7, window_bounds = array<i64: 256, 1024>}, {pipeline_mode = #tpu.pipeline_mode<synchronous>, transform_indices = @transform_8, window_bounds = array<i64: 1, 1024>}, {pipeline_mode = #tpu.pipeline_mode<synchronous>, transform_indices = @transform_9, window_bounds = array<i64: 1024, 256>}, {pipeline_mode = #tpu.pipeline_mode<synchronous>, transform_indices = @transform_10, window_bounds = array<i64: 1, 256>}, {pipeline_mode = #tpu.pipeline_mode<synchronous>, transform_indices = @transform_11, window_bounds = array<i64: 1, 256>}, {pipeline_mode = #tpu.pipeline_mode<synchronous>, transform_indices = @transform_12, window_bounds = array<i64: 1, 256>}, {transform_indices = @transform_13, window_bounds = array<i64: 1, 1024, 256>}, {transform_indices = @transform_14, window_bounds = array<i64: 1, 1024, 256>}, {transform_indices = @transform_15, window_bounds = array<i64: 1, 1024, 256>}]} {
    %broadcast_in_dim3A = arith.constant 0.000000e+00 : f32
    %broadcast_in_dim3A_0 = vector.broadcast %broadcast_in_dim3A : f32 to vector<1024x256xf32>
    %get3A = arith.constant 0 : index
    %get3A_1 = arith.constant 0 : index
    %get3A_2 = arith.constant 0 : index
    %get3A_3 = arith.constant 0 : index
    %get3A_4 = vector.load %arg4[%get3A, %get3A_1, %get3A_2, %get3A_3] : memref<1x4x1024x64xbf16, #tpu.memory_space<vmem>>, vector<1x1x1024x64xbf16>
    %get3A_5 = vector.shape_cast %get3A_4 : vector<1x1x1024x64xbf16> to vector<1024x64xbf16>
    %get3A_6 = arith.constant 0 : index
    %get3A_7 = arith.constant 0 : index
    %get3A_8 = arith.constant 0 : index
    %get3A_9 = vector.load %arg5[%get3A_6, %get3A_7, %get3A_8] : memref<4x64x256xf32, #tpu.memory_space<vmem>>, vector<1x64x256xf32>
    %get3A_10 = vector.shape_cast %get3A_9 : vector<1x64x256xf32> to vector<64x256xf32>
    %convert_element_type3A = arith.truncf %get3A_10 : vector<64x256xf32> to vector<64x256xbf16>
    %dot_general3A = arith.constant dense<0.000000e+00> : vector<1024x256xf32>
    %dot_general3A_11 = tpu.matmul %get3A_5, %convert_element_type3A, %dot_general3A {dimension_numbers = #tpu.dot_dimension_numbers<[1], [0], [0], [1], [0, 0, 1, 1], [], []>, transpose_lhs_hint = false} : vector<1024x64xbf16>, vector<64x256xbf16>, vector<1024x256xf32> -> vector<1024x256xf32>
    %add3A = arith.addf %broadcast_in_dim3A_0, %dot_general3A_11 : vector<1024x256xf32>
    %get3A_12 = arith.constant 0 : index
    %get3A_13 = arith.constant 1 : index
    %get3A_14 = arith.constant 0 : index
    %get3A_15 = arith.constant 0 : index
    %get3A_16 = vector.load %arg4[%get3A_12, %get3A_13, %get3A_14, %get3A_15] : memref<1x4x1024x64xbf16, #tpu.memory_space<vmem>>, vector<1x1x1024x64xbf16>
    %get3A_17 = vector.shape_cast %get3A_16 : vector<1x1x1024x64xbf16> to vector<1024x64xbf16>
    %get3A_18 = arith.constant 1 : index
    %get3A_19 = arith.constant 0 : index
    %get3A_20 = arith.constant 0 : index
    %get3A_21 = vector.load %arg5[%get3A_18, %get3A_19, %get3A_20] : memref<4x64x256xf32, #tpu.memory_space<vmem>>, vector<1x64x256xf32>
    %get3A_22 = vector.shape_cast %get3A_21 : vector<1x64x256xf32> to vector<64x256xf32>
    %convert_element_type3A_23 = arith.truncf %get3A_22 : vector<64x256xf32> to vector<64x256xbf16>
    %dot_general3A_24 = arith.constant dense<0.000000e+00> : vector<1024x256xf32>
    %dot_general3A_25 = tpu.matmul %get3A_17, %convert_element_type3A_23, %dot_general3A_24 {dimension_numbers = #tpu.dot_dimension_numbers<[1], [0], [0], [1], [0, 0, 1, 1], [], []>, transpose_lhs_hint = false} : vector<1024x64xbf16>, vector<64x256xbf16>, vector<1024x256xf32> -> vector<1024x256xf32>
    %add3A_26 = arith.addf %add3A, %dot_general3A_25 : vector<1024x256xf32>
    %get3A_27 = arith.constant 0 : index
    %get3A_28 = arith.constant 2 : index
    %get3A_29 = arith.constant 0 : index
    %get3A_30 = arith.constant 0 : index
    %get3A_31 = vector.load %arg4[%get3A_27, %get3A_28, %get3A_29, %get3A_30] : memref<1x4x1024x64xbf16, #tpu.memory_space<vmem>>, vector<1x1x1024x64xbf16>
    %get3A_32 = vector.shape_cast %get3A_31 : vector<1x1x1024x64xbf16> to vector<1024x64xbf16>
    %get3A_33 = arith.constant 2 : index
    %get3A_34 = arith.constant 0 : index
    %get3A_35 = arith.constant 0 : index
    %get3A_36 = vector.load %arg5[%get3A_33, %get3A_34, %get3A_35] : memref<4x64x256xf32, #tpu.memory_space<vmem>>, vector<1x64x256xf32>
    %get3A_37 = vector.shape_cast %get3A_36 : vector<1x64x256xf32> to vector<64x256xf32>
    %convert_element_type3A_38 = arith.truncf %get3A_37 : vector<64x256xf32> to vector<64x256xbf16>
    %dot_general3A_39 = arith.constant dense<0.000000e+00> : vector<1024x256xf32>
    %dot_general3A_40 = tpu.matmul %get3A_32, %convert_element_type3A_38, %dot_general3A_39 {dimension_numbers = #tpu.dot_dimension_numbers<[1], [0], [0], [1], [0, 0, 1, 1], [], []>, transpose_lhs_hint = false} : vector<1024x64xbf16>, vector<64x256xbf16>, vector<1024x256xf32> -> vector<1024x256xf32>
    %add3A_41 = arith.addf %add3A_26, %dot_general3A_40 : vector<1024x256xf32>
    %get3A_42 = arith.constant 0 : index
    %get3A_43 = arith.constant 3 : index
    %get3A_44 = arith.constant 0 : index
    %get3A_45 = arith.constant 0 : index
    %get3A_46 = vector.load %arg4[%get3A_42, %get3A_43, %get3A_44, %get3A_45] : memref<1x4x1024x64xbf16, #tpu.memory_space<vmem>>, vector<1x1x1024x64xbf16>
    %get3A_47 = vector.shape_cast %get3A_46 : vector<1x1x1024x64xbf16> to vector<1024x64xbf16>
    %get3A_48 = arith.constant 3 : index
    %get3A_49 = arith.constant 0 : index
    %get3A_50 = arith.constant 0 : index
    %get3A_51 = vector.load %arg5[%get3A_48, %get3A_49, %get3A_50] : memref<4x64x256xf32, #tpu.memory_space<vmem>>, vector<1x64x256xf32>
    %get3A_52 = vector.shape_cast %get3A_51 : vector<1x64x256xf32> to vector<64x256xf32>
    %convert_element_type3A_53 = arith.truncf %get3A_52 : vector<64x256xf32> to vector<64x256xbf16>
    %dot_general3A_54 = arith.constant dense<0.000000e+00> : vector<1024x256xf32>
    %dot_general3A_55 = tpu.matmul %get3A_47, %convert_element_type3A_53, %dot_general3A_54 {dimension_numbers = #tpu.dot_dimension_numbers<[1], [0], [0], [1], [0, 0, 1, 1], [], []>, transpose_lhs_hint = false} : vector<1024x64xbf16>, vector<64x256xbf16>, vector<1024x256xf32> -> vector<1024x256xf32>
    %add3A_56 = arith.addf %add3A_41, %dot_general3A_55 : vector<1024x256xf32>
    %get3A_57 = arith.constant 0 : index
    %get3A_58 = arith.constant 0 : index
    %get3A_59 = arith.constant 0 : index
    %get3A_60 = vector.load %arg2[%get3A_57, %get3A_58, %get3A_59] : memref<1x1024x256xf32, #tpu.memory_space<vmem>>, vector<1x1024x256xf32>
    %get3A_61 = vector.shape_cast %get3A_60 : vector<1x1024x256xf32> to vector<1024x256xf32>
    %add3A_62 = arith.addf %get3A_61, %add3A_56 : vector<1024x256xf32>
    %get3A_63 = arith.constant 0 : index
    %get3A_64 = arith.constant 0 : index
    %get3A_65 = vector.load %arg6[%get3A_63, %get3A_64] : memref<1x256xf32, #tpu.memory_space<vmem>>, vector<1x256xf32>
    %add3A_66 = vector.broadcast %get3A_65 : vector<1x256xf32> to vector<1024x256xf32>
    %add3A_67 = arith.addf %add3A_62, %add3A_66 : vector<1024x256xf32>
    %get3A_68 = arith.constant 0 : index
    %get3A_69 = arith.constant 0 : index
    %get3A_70 = vector.load %arg7[%get3A_68, %get3A_69] : memref<1x256xf32, #tpu.memory_space<vmem>>, vector<1x256xf32>
    %get3A_71 = arith.constant 0 : index
    %get3A_72 = arith.constant 0 : index
    %get3A_73 = vector.load %arg8[%get3A_71, %get3A_72] : memref<1x256xf32, #tpu.memory_space<vmem>>, vector<1x256xf32>
    %reduce_sum3A = arith.constant dense<0.000000e+00> : vector<1024xf32>
    %reduce_sum3A_74 = vector.multi_reduction <add>, %add3A_67, %reduce_sum3A [1] : vector<1024x256xf32> to vector<1024xf32>
    %broadcast_in_dim3A_75 = vector.shape_cast %reduce_sum3A_74 : vector<1024xf32> to vector<1024x1xf32>
    %div3A = arith.constant 2.560000e+02 : f32
    %div3A_76 = vector.broadcast %div3A : f32 to vector<1024x1xf32>
    %div3A_77 = arith.divf %broadcast_in_dim3A_75, %div3A_76 : vector<1024x1xf32>
    %sub3A = vector.broadcast %div3A_77 : vector<1024x1xf32> to vector<1024x256xf32>
    %sub3A_78 = arith.subf %add3A_67, %sub3A : vector<1024x256xf32>
    %integer_pow3A = arith.mulf %sub3A_78, %sub3A_78 : vector<1024x256xf32>
    %reduce_sum3A_79 = arith.constant dense<0.000000e+00> : vector<1024xf32>
    %reduce_sum3A_80 = vector.multi_reduction <add>, %integer_pow3A, %reduce_sum3A_79 [1] : vector<1024x256xf32> to vector<1024xf32>
    %broadcast_in_dim3A_81 = vector.shape_cast %reduce_sum3A_80 : vector<1024xf32> to vector<1024x1xf32>
    %div3A_82 = arith.constant 2.560000e+02 : f32
    %div3A_83 = vector.broadcast %div3A_82 : f32 to vector<1024x1xf32>
    %div3A_84 = arith.divf %broadcast_in_dim3A_81, %div3A_83 : vector<1024x1xf32>
    %sub3A_85 = vector.broadcast %div3A_77 : vector<1024x1xf32> to vector<1024x256xf32>
    %sub3A_86 = arith.subf %add3A_67, %sub3A_85 : vector<1024x256xf32>
    %add3A_87 = arith.constant 9.99999974E-6 : f32
    %add3A_88 = vector.broadcast %add3A_87 : f32 to vector<1024x1xf32>
    %add3A_89 = arith.addf %div3A_84, %add3A_88 : vector<1024x1xf32>
    %rsqrt3A = math.rsqrt %add3A_89 : vector<1024x1xf32>
    %mul3A = vector.broadcast %rsqrt3A : vector<1024x1xf32> to vector<1024x256xf32>
    %mul3A_90 = arith.mulf %sub3A_86, %mul3A : vector<1024x256xf32>
    %mul3A_91 = vector.broadcast %get3A_70 : vector<1x256xf32> to vector<1024x256xf32>
    %mul3A_92 = arith.mulf %mul3A_90, %mul3A_91 : vector<1024x256xf32>
    %add3A_93 = vector.broadcast %get3A_73 : vector<1x256xf32> to vector<1024x256xf32>
    %add3A_94 = arith.addf %mul3A_92, %add3A_93 : vector<1024x256xf32>
    %convert_element_type3A_95 = arith.truncf %add3A_94 : vector<1024x256xf32> to vector<1024x256xbf16>
    %get3A_96 = arith.constant 0 : index
    %get3A_97 = arith.constant 0 : index
    %get3A_98 = vector.load %arg9[%get3A_96, %get3A_97] : memref<256x1024xf32, #tpu.memory_space<vmem>>, vector<256x1024xf32>
    %convert_element_type3A_99 = arith.truncf %get3A_98 : vector<256x1024xf32> to vector<256x1024xbf16>
    %dot_general3A_100 = arith.constant dense<0.000000e+00> : vector<1024x1024xf32>
    %dot_general3A_101 = tpu.matmul %convert_element_type3A_95, %convert_element_type3A_99, %dot_general3A_100 {dimension_numbers = #tpu.dot_dimension_numbers<[1], [0], [0], [1], [0, 0, 1, 1], [], []>, transpose_lhs_hint = false} : vector<1024x256xbf16>, vector<256x1024xbf16>, vector<1024x1024xf32> -> vector<1024x1024xf32>
    %get3A_102 = arith.constant 0 : index
    %get3A_103 = arith.constant 0 : index
    %get3A_104 = vector.load %arg10[%get3A_102, %get3A_103] : memref<1x1024xf32, #tpu.memory_space<vmem>>, vector<1x1024xf32>
    %add3A_105 = vector.broadcast %get3A_104 : vector<1x1024xf32> to vector<1024x1024xf32>
    %add3A_106 = arith.addf %dot_general3A_101, %add3A_105 : vector<1024x1024xf32>
    %mul3A_107 = arith.constant 5.000000e-01 : f32
    %mul3A_108 = vector.broadcast %mul3A_107 : f32 to vector<1024x1024xf32>
    %mul3A_109 = arith.mulf %mul3A_108, %add3A_106 : vector<1024x1024xf32>
    %mul3A_110 = arith.constant 0.707106769 : f32
    %mul3A_111 = vector.broadcast %mul3A_110 : f32 to vector<1024x1024xf32>
    %mul3A_112 = arith.mulf %add3A_106, %mul3A_111 : vector<1024x1024xf32>
    %erf3A = math.erf %mul3A_112 : vector<1024x1024xf32>
    %add3A_113 = arith.constant 1.000000e+00 : f32
    %add3A_114 = vector.broadcast %add3A_113 : f32 to vector<1024x1024xf32>
    %add3A_115 = arith.addf %add3A_114, %erf3A : vector<1024x1024xf32>
    %mul3A_116 = arith.mulf %mul3A_109, %add3A_115 : vector<1024x1024xf32>
    %get3A_117 = arith.constant 0 : index
    %get3A_118 = arith.constant 0 : index
    %get3A_119 = arith.constant 0 : index
    %get3A_120 = vector.load %arg3[%get3A_117, %get3A_118, %get3A_119] : memref<1x1024x256xf32, #tpu.memory_space<vmem>>, vector<1x1024x256xf32>
    %get3A_121 = vector.shape_cast %get3A_120 : vector<1x1024x256xf32> to vector<1024x256xf32>
    %convert_element_type3A_122 = arith.truncf %mul3A_116 : vector<1024x1024xf32> to vector<1024x1024xbf16>
    %get3A_123 = arith.constant 0 : index
    %get3A_124 = arith.constant 0 : index
    %get3A_125 = vector.load %arg11[%get3A_123, %get3A_124] : memref<1024x256xf32, #tpu.memory_space<vmem>>, vector<1024x256xf32>
    %convert_element_type3A_126 = arith.truncf %get3A_125 : vector<1024x256xf32> to vector<1024x256xbf16>
    %dot_general3A_127 = arith.constant dense<0.000000e+00> : vector<1024x256xf32>
    %dot_general3A_128 = tpu.matmul %convert_element_type3A_122, %convert_element_type3A_126, %dot_general3A_127 {dimension_numbers = #tpu.dot_dimension_numbers<[1], [0], [0], [1], [0, 0, 1, 1], [], []>, transpose_lhs_hint = false} : vector<1024x1024xbf16>, vector<1024x256xbf16>, vector<1024x256xf32> -> vector<1024x256xf32>
    %add3A_129 = arith.addf %get3A_121, %dot_general3A_128 : vector<1024x256xf32>
    %get3A_130 = arith.constant 0 : index
    %get3A_131 = arith.constant 0 : index
    %get3A_132 = vector.load %arg12[%get3A_130, %get3A_131] : memref<1x256xf32, #tpu.memory_space<vmem>>, vector<1x256xf32>
    %add3A_133 = vector.broadcast %get3A_132 : vector<1x256xf32> to vector<1024x256xf32>
    %add3A_134 = arith.addf %add3A_129, %add3A_133 : vector<1024x256xf32>
    %swap3A = arith.constant 0 : index
    %swap3A_135 = arith.constant 0 : index
    %swap3A_136 = arith.constant 0 : index
    %swap3A_137 = vector.load %arg15[%swap3A, %swap3A_135, %swap3A_136] : memref<1x1024x256xf32, #tpu.memory_space<vmem>>, vector<1x1024x256xf32>
    %swap3A_138 = vector.shape_cast %swap3A_137 : vector<1x1024x256xf32> to vector<1024x256xf32>
    %swap3A_139 = vector.shape_cast %add3A_67 : vector<1024x256xf32> to vector<1x1024x256xf32>
    tpu.vector_store %arg15[%swap3A, %swap3A_135, %swap3A_136], %swap3A_139 {strides = array<i32>} : memref<1x1024x256xf32, #tpu.memory_space<vmem>>, vector<1x1024x256xf32>,
    %swap3A_140 = arith.constant 0 : index
    %swap3A_141 = arith.constant 0 : index
    %swap3A_142 = arith.constant 0 : index
    %swap3A_143 = vector.load %arg16[%swap3A_140, %swap3A_141, %swap3A_142] : memref<1x1024x256xf32, #tpu.memory_space<vmem>>, vector<1x1024x256xf32>
    %swap3A_144 = vector.shape_cast %swap3A_143 : vector<1x1024x256xf32> to vector<1024x256xf32>
    %swap3A_145 = vector.shape_cast %add3A_134 : vector<1024x256xf32> to vector<1x1024x256xf32>
    tpu.vector_store %arg16[%swap3A_140, %swap3A_141, %swap3A_142], %swap3A_145 {strides = array<i32>} : memref<1x1024x256xf32, #tpu.memory_space<vmem>>, vector<1x1024x256xf32>,
    %get3A_146 = arith.constant 0 : index
    %get3A_147 = arith.constant 0 : index
    %get3A_148 = vector.load %arg13[%get3A_146, %get3A_147] : memref<1x256xf32, #tpu.memory_space<vmem>>, vector<1x256xf32>
    %get3A_149 = arith.constant 0 : index
    %get3A_150 = arith.constant 0 : index
    %get3A_151 = vector.load %arg14[%get3A_149, %get3A_150] : memref<1x256xf32, #tpu.memory_space<vmem>>, vector<1x256xf32>
    %reduce_sum3A_152 = arith.constant dense<0.000000e+00> : vector<1024xf32>
    %reduce_sum3A_153 = vector.multi_reduction <add>, %add3A_134, %reduce_sum3A_152 [1] : vector<1024x256xf32> to vector<1024xf32>
    %broadcast_in_dim3A_154 = vector.shape_cast %reduce_sum3A_153 : vector<1024xf32> to vector<1024x1xf32>
    %div3A_155 = arith.constant 2.560000e+02 : f32
    %div3A_156 = vector.broadcast %div3A_155 : f32 to vector<1024x1xf32>
    %div3A_157 = arith.divf %broadcast_in_dim3A_154, %div3A_156 : vector<1024x1xf32>
    %sub3A_158 = vector.broadcast %div3A_157 : vector<1024x1xf32> to vector<1024x256xf32>
    %sub3A_159 = arith.subf %add3A_134, %sub3A_158 : vector<1024x256xf32>
    %integer_pow3A_160 = arith.mulf %sub3A_159, %sub3A_159 : vector<1024x256xf32>
    %reduce_sum3A_161 = arith.constant dense<0.000000e+00> : vector<1024xf32>
    %reduce_sum3A_162 = vector.multi_reduction <add>, %integer_pow3A_160, %reduce_sum3A_161 [1] : vector<1024x256xf32> to vector<1024xf32>
    %broadcast_in_dim3A_163 = vector.shape_cast %reduce_sum3A_162 : vector<1024xf32> to vector<1024x1xf32>
    %div3A_164 = arith.constant 2.560000e+02 : f32
    %div3A_165 = vector.broadcast %div3A_164 : f32 to vector<1024x1xf32>
    %div3A_166 = arith.divf %broadcast_in_dim3A_163, %div3A_165 : vector<1024x1xf32>
    %sub3A_167 = vector.broadcast %div3A_157 : vector<1024x1xf32> to vector<1024x256xf32>
    %sub3A_168 = arith.subf %add3A_134, %sub3A_167 : vector<1024x256xf32>
    %add3A_169 = arith.constant 9.99999974E-6 : f32
    %add3A_170 = vector.broadcast %add3A_169 : f32 to vector<1024x1xf32>
    %add3A_171 = arith.addf %div3A_166, %add3A_170 : vector<1024x1xf32>
    %rsqrt3A_172 = math.rsqrt %add3A_171 : vector<1024x1xf32>
    %mul3A_173 = vector.broadcast %rsqrt3A_172 : vector<1024x1xf32> to vector<1024x256xf32>
    %mul3A_174 = arith.mulf %sub3A_168, %mul3A_173 : vector<1024x256xf32>
    %mul3A_175 = vector.broadcast %get3A_148 : vector<1x256xf32> to vector<1024x256xf32>
    %mul3A_176 = arith.mulf %mul3A_174, %mul3A_175 : vector<1024x256xf32>
    %add3A_177 = vector.broadcast %get3A_151 : vector<1x256xf32> to vector<1024x256xf32>
    %add3A_178 = arith.addf %mul3A_176, %add3A_177 : vector<1024x256xf32>
    %convert_element_type3A_179 = arith.truncf %add3A_178 : vector<1024x256xf32> to vector<1024x256xbf16>
    %swap3A_180 = arith.constant 0 : index
    %swap3A_181 = arith.constant 0 : index
    %swap3A_182 = arith.constant 0 : index
    %swap3A_183 = vector.load %arg17[%swap3A_180, %swap3A_181, %swap3A_182] : memref<1x1024x256xbf16, #tpu.memory_space<vmem>>, vector<1x1024x256xbf16>
    %swap3A_184 = vector.shape_cast %swap3A_183 : vector<1x1024x256xbf16> to vector<1024x256xbf16>
    %swap3A_185 = vector.shape_cast %convert_element_type3A_179 : vector<1024x256xbf16> to vector<1x1024x256xbf16>
    tpu.vector_store %arg17[%swap3A_180, %swap3A_181, %swap3A_182], %swap3A_185 {strides = array<i32>} : memref<1x1024x256xbf16, #tpu.memory_space<vmem>>, vector<1x1024x256xbf16>,
    return
  }
  func.func @transform_0(%arg0: i32, %arg1: i32) -> (i32, i32, i32) {
    %c0_i32 = arith.constant 0 : i32
    %c0_i32_0 = arith.constant 0 : i32
    return %arg0, %arg1, %c0_i32 : i32, i32, i32
  }
  func.func @transform_1(%arg0: i32, %arg1: i32) -> (i32, i32, i32) {
    %c0_i32 = arith.constant 0 : i32
    %c0_i32_0 = arith.constant 0 : i32
    return %arg0, %arg1, %c0_i32 : i32, i32, i32
  }
  func.func @transform_2(%arg0: i32, %arg1: i32) -> (i32, i32, i32, i32) {
    %c0_i32 = arith.constant 0 : i32
    %c0_i32_0 = arith.constant 0 : i32
    %c0_i32_1 = arith.constant 0 : i32
    return %arg0, %c0_i32, %arg1, %c0_i32_0 : i32, i32, i32, i32
  }
  func.func @transform_3(%arg0: i32, %arg1: i32) -> (i32, i32, i32) {
    %c0_i32 = arith.constant 0 : i32
    %c0_i32_0 = arith.constant 0 : i32
    %c0_i32_1 = arith.constant 0 : i32
    %c0_i32_2 = arith.constant 0 : i32
    return %c0_i32, %c0_i32_0, %c0_i32_1 : i32, i32, i32
  }
  func.func @transform_4(%arg0: i32, %arg1: i32) -> (i32, i32) {
    %c0_i32 = arith.constant 0 : i32
    %c0_i32_0 = arith.constant 0 : i32
    %c0_i32_1 = arith.constant 0 : i32
    return %c0_i32, %c0_i32_0 : i32, i32
  }
  func.func @transform_5(%arg0: i32, %arg1: i32) -> (i32, i32) {
    %c0_i32 = arith.constant 0 : i32
    %c0_i32_0 = arith.constant 0 : i32
    %c0_i32_1 = arith.constant 0 : i32
    return %c0_i32, %c0_i32_0 : i32, i32
  }
  func.func @transform_6(%arg0: i32, %arg1: i32) -> (i32, i32) {
    %c0_i32 = arith.constant 0 : i32
    %c0_i32_0 = arith.constant 0 : i32
    %c0_i32_1 = arith.constant 0 : i32
    return %c0_i32, %c0_i32_0 : i32, i32
  }
  func.func @transform_7(%arg0: i32, %arg1: i32) -> (i32, i32) {
    %c0_i32 = arith.constant 0 : i32
    %c0_i32_0 = arith.constant 0 : i32
    %c0_i32_1 = arith.constant 0 : i32
    return %c0_i32, %c0_i32_0 : i32, i32
  }
  func.func @transform_8(%arg0: i32, %arg1: i32) -> (i32, i32) {
    %c0_i32 = arith.constant 0 : i32
    %c0_i32_0 = arith.constant 0 : i32
    %c0_i32_1 = arith.constant 0 : i32
    return %c0_i32, %c0_i32_0 : i32, i32
  }
  func.func @transform_9(%arg0: i32, %arg1: i32) -> (i32, i32) {
    %c0_i32 = arith.constant 0 : i32
    %c0_i32_0 = arith.constant 0 : i32
    %c0_i32_1 = arith.constant 0 : i32
    return %c0_i32, %c0_i32_0 : i32, i32
  }
  func.func @transform_10(%arg0: i32, %arg1: i32) -> (i32, i32) {
    %c0_i32 = arith.constant 0 : i32
    %c0_i32_0 = arith.constant 0 : i32
    %c0_i32_1 = arith.constant 0 : i32
    return %c0_i32, %c0_i32_0 : i32, i32
  }
  func.func @transform_11(%arg0: i32, %arg1: i32) -> (i32, i32) {
    %c0_i32 = arith.constant 0 : i32
    %c0_i32_0 = arith.constant 0 : i32
    %c0_i32_1 = arith.constant 0 : i32
    return %c0_i32, %c0_i32_0 : i32, i32
  }
  func.func @transform_12(%arg0: i32, %arg1: i32) -> (i32, i32) {
    %c0_i32 = arith.constant 0 : i32
    %c0_i32_0 = arith.constant 0 : i32
    %c0_i32_1 = arith.constant 0 : i32
    return %c0_i32, %c0_i32_0 : i32, i32
  }
  func.func @transform_13(%arg0: i32, %arg1: i32) -> (i32, i32, i32) {
    %c0_i32 = arith.constant 0 : i32
    %c0_i32_0 = arith.constant 0 : i32
    return %arg0, %arg1, %c0_i32 : i32, i32, i32
  }
  func.func @transform_14(%arg0: i32, %arg1: i32) -> (i32, i32, i32) {
    %c0_i32 = arith.constant 0 : i32
    %c0_i32_0 = arith.constant 0 : i32
    return %arg0, %arg1, %c0_i32 : i32, i32, i32
  }
  func.func @transform_15(%arg0: i32, %arg1: i32) -> (i32, i32, i32) {
    %c0_i32 = arith.constant 0 : i32
    %c0_i32_0 = arith.constant 0 : i32
    return %arg0, %arg1, %c0_i32 : i32, i32, i32
  }
}

module attributes {stable_mosaic.version = 14 : i64} {
  func.func @kern(%arg0: i32, %arg1: memref<1x2048x256xf32, #tpu.memory_space<vmem>>, %arg2: memref<1x2048x256xf32, #tpu.memory_space<vmem>>, %arg3: memref<1x4x2048x64xbf16, #tpu.memory_space<vmem>>, %arg4: memref<4x64x256xf32, #tpu.memory_space<vmem>>, %arg5: memref<1x256xf32, #tpu.memory_space<vmem>>, %arg6: memref<1x256xf32, #tpu.memory_space<vmem>>, %arg7: memref<1x256xf32, #tpu.memory_space<vmem>>, %arg8: memref<256x1024xf32, #tpu.memory_space<vmem>>, %arg9: memref<1x1024xf32, #tpu.memory_space<vmem>>, %arg10: memref<1024x256xf32, #tpu.memory_space<vmem>>, %arg11: memref<1x256xf32, #tpu.memory_space<vmem>>, %arg12: memref<1x256xf32, #tpu.memory_space<vmem>>, %arg13: memref<1x256xf32, #tpu.memory_space<vmem>>, %arg14: memref<256x256xf32, #tpu.memory_space<vmem>>, %arg15: memref<1x256xf32, #tpu.memory_space<vmem>>, %arg16: memref<256x4xf32, #tpu.memory_space<vmem>>, %arg17: memref<1x4xf32, #tpu.memory_space<vmem>>, %arg18: memref<1x1x4xf32, #tpu.memory_space<vmem>>) attributes {dimension_semantics = [#tpu.dimension_semantics<arbitrary>], iteration_bounds = array<i64: 2>, scalar_prefetch = 0 : i64, scratch_operands = 0 : i64, tpu.core_type = #tpu.core_type<tc>, window_params = [{transform_indices = @transform_0, window_bounds = array<i64: 1, 2048, 256>}, {transform_indices = @transform_1, window_bounds = array<i64: 1, 2048, 256>}, {transform_indices = @transform_2, window_bounds = array<i64: 1, 4, 2048, 64>}, {pipeline_mode = #tpu.pipeline_mode<synchronous>, transform_indices = @transform_3, window_bounds = array<i64: 4, 64, 256>}, {pipeline_mode = #tpu.pipeline_mode<synchronous>, transform_indices = @transform_4, window_bounds = array<i64: 1, 256>}, {pipeline_mode = #tpu.pipeline_mode<synchronous>, transform_indices = @transform_5, window_bounds = array<i64: 1, 256>}, {pipeline_mode = #tpu.pipeline_mode<synchronous>, transform_indices = @transform_6, window_bounds = array<i64: 1, 256>}, {pipeline_mode = #tpu.pipeline_mode<synchronous>, transform_indices = @transform_7, window_bounds = array<i64: 256, 1024>}, {pipeline_mode = #tpu.pipeline_mode<synchronous>, transform_indices = @transform_8, window_bounds = array<i64: 1, 1024>}, {pipeline_mode = #tpu.pipeline_mode<synchronous>, transform_indices = @transform_9, window_bounds = array<i64: 1024, 256>}, {pipeline_mode = #tpu.pipeline_mode<synchronous>, transform_indices = @transform_10, window_bounds = array<i64: 1, 256>}, {pipeline_mode = #tpu.pipeline_mode<synchronous>, transform_indices = @transform_11, window_bounds = array<i64: 1, 256>}, {pipeline_mode = #tpu.pipeline_mode<synchronous>, transform_indices = @transform_12, window_bounds = array<i64: 1, 256>}, {pipeline_mode = #tpu.pipeline_mode<synchronous>, transform_indices = @transform_13, window_bounds = array<i64: 256, 256>}, {pipeline_mode = #tpu.pipeline_mode<synchronous>, transform_indices = @transform_14, window_bounds = array<i64: 1, 256>}, {pipeline_mode = #tpu.pipeline_mode<synchronous>, transform_indices = @transform_15, window_bounds = array<i64: 256, 4>}, {pipeline_mode = #tpu.pipeline_mode<synchronous>, transform_indices = @transform_16, window_bounds = array<i64: 1, 4>}, {transform_indices = @transform_17, window_bounds = array<i64: 1, 1, 4>}]} {
    %broadcast_in_dim3A = arith.constant 0.000000e+00 : f32
    %broadcast_in_dim3A_0 = vector.broadcast %broadcast_in_dim3A : f32 to vector<2048x256xf32>
    %get3A = arith.constant 0 : index
    %get3A_1 = arith.constant 0 : index
    %get3A_2 = arith.constant 0 : index
    %get3A_3 = arith.constant 0 : index
    %get3A_4 = vector.load %arg3[%get3A, %get3A_1, %get3A_2, %get3A_3] : memref<1x4x2048x64xbf16, #tpu.memory_space<vmem>>, vector<1x1x2048x64xbf16>
    %get3A_5 = vector.shape_cast %get3A_4 : vector<1x1x2048x64xbf16> to vector<2048x64xbf16>
    %get3A_6 = arith.constant 0 : index
    %get3A_7 = arith.constant 0 : index
    %get3A_8 = arith.constant 0 : index
    %get3A_9 = vector.load %arg4[%get3A_6, %get3A_7, %get3A_8] : memref<4x64x256xf32, #tpu.memory_space<vmem>>, vector<1x64x256xf32>
    %get3A_10 = vector.shape_cast %get3A_9 : vector<1x64x256xf32> to vector<64x256xf32>
    %convert_element_type3A = arith.truncf %get3A_10 : vector<64x256xf32> to vector<64x256xbf16>
    %dot_general3A = arith.constant dense<0.000000e+00> : vector<2048x256xf32>
    %dot_general3A_11 = tpu.matmul %get3A_5, %convert_element_type3A, %dot_general3A {dimension_numbers = #tpu.dot_dimension_numbers<[1], [0], [0], [1], [0, 0, 1, 1], [], []>, transpose_lhs_hint = false} : vector<2048x64xbf16>, vector<64x256xbf16>, vector<2048x256xf32> -> vector<2048x256xf32>
    %add3A = arith.addf %broadcast_in_dim3A_0, %dot_general3A_11 : vector<2048x256xf32>
    %get3A_12 = arith.constant 0 : index
    %get3A_13 = arith.constant 1 : index
    %get3A_14 = arith.constant 0 : index
    %get3A_15 = arith.constant 0 : index
    %get3A_16 = vector.load %arg3[%get3A_12, %get3A_13, %get3A_14, %get3A_15] : memref<1x4x2048x64xbf16, #tpu.memory_space<vmem>>, vector<1x1x2048x64xbf16>
    %get3A_17 = vector.shape_cast %get3A_16 : vector<1x1x2048x64xbf16> to vector<2048x64xbf16>
    %get3A_18 = arith.constant 1 : index
    %get3A_19 = arith.constant 0 : index
    %get3A_20 = arith.constant 0 : index
    %get3A_21 = vector.load %arg4[%get3A_18, %get3A_19, %get3A_20] : memref<4x64x256xf32, #tpu.memory_space<vmem>>, vector<1x64x256xf32>
    %get3A_22 = vector.shape_cast %get3A_21 : vector<1x64x256xf32> to vector<64x256xf32>
    %convert_element_type3A_23 = arith.truncf %get3A_22 : vector<64x256xf32> to vector<64x256xbf16>
    %dot_general3A_24 = arith.constant dense<0.000000e+00> : vector<2048x256xf32>
    %dot_general3A_25 = tpu.matmul %get3A_17, %convert_element_type3A_23, %dot_general3A_24 {dimension_numbers = #tpu.dot_dimension_numbers<[1], [0], [0], [1], [0, 0, 1, 1], [], []>, transpose_lhs_hint = false} : vector<2048x64xbf16>, vector<64x256xbf16>, vector<2048x256xf32> -> vector<2048x256xf32>
    %add3A_26 = arith.addf %add3A, %dot_general3A_25 : vector<2048x256xf32>
    %get3A_27 = arith.constant 0 : index
    %get3A_28 = arith.constant 2 : index
    %get3A_29 = arith.constant 0 : index
    %get3A_30 = arith.constant 0 : index
    %get3A_31 = vector.load %arg3[%get3A_27, %get3A_28, %get3A_29, %get3A_30] : memref<1x4x2048x64xbf16, #tpu.memory_space<vmem>>, vector<1x1x2048x64xbf16>
    %get3A_32 = vector.shape_cast %get3A_31 : vector<1x1x2048x64xbf16> to vector<2048x64xbf16>
    %get3A_33 = arith.constant 2 : index
    %get3A_34 = arith.constant 0 : index
    %get3A_35 = arith.constant 0 : index
    %get3A_36 = vector.load %arg4[%get3A_33, %get3A_34, %get3A_35] : memref<4x64x256xf32, #tpu.memory_space<vmem>>, vector<1x64x256xf32>
    %get3A_37 = vector.shape_cast %get3A_36 : vector<1x64x256xf32> to vector<64x256xf32>
    %convert_element_type3A_38 = arith.truncf %get3A_37 : vector<64x256xf32> to vector<64x256xbf16>
    %dot_general3A_39 = arith.constant dense<0.000000e+00> : vector<2048x256xf32>
    %dot_general3A_40 = tpu.matmul %get3A_32, %convert_element_type3A_38, %dot_general3A_39 {dimension_numbers = #tpu.dot_dimension_numbers<[1], [0], [0], [1], [0, 0, 1, 1], [], []>, transpose_lhs_hint = false} : vector<2048x64xbf16>, vector<64x256xbf16>, vector<2048x256xf32> -> vector<2048x256xf32>
    %add3A_41 = arith.addf %add3A_26, %dot_general3A_40 : vector<2048x256xf32>
    %get3A_42 = arith.constant 0 : index
    %get3A_43 = arith.constant 3 : index
    %get3A_44 = arith.constant 0 : index
    %get3A_45 = arith.constant 0 : index
    %get3A_46 = vector.load %arg3[%get3A_42, %get3A_43, %get3A_44, %get3A_45] : memref<1x4x2048x64xbf16, #tpu.memory_space<vmem>>, vector<1x1x2048x64xbf16>
    %get3A_47 = vector.shape_cast %get3A_46 : vector<1x1x2048x64xbf16> to vector<2048x64xbf16>
    %get3A_48 = arith.constant 3 : index
    %get3A_49 = arith.constant 0 : index
    %get3A_50 = arith.constant 0 : index
    %get3A_51 = vector.load %arg4[%get3A_48, %get3A_49, %get3A_50] : memref<4x64x256xf32, #tpu.memory_space<vmem>>, vector<1x64x256xf32>
    %get3A_52 = vector.shape_cast %get3A_51 : vector<1x64x256xf32> to vector<64x256xf32>
    %convert_element_type3A_53 = arith.truncf %get3A_52 : vector<64x256xf32> to vector<64x256xbf16>
    %dot_general3A_54 = arith.constant dense<0.000000e+00> : vector<2048x256xf32>
    %dot_general3A_55 = tpu.matmul %get3A_47, %convert_element_type3A_53, %dot_general3A_54 {dimension_numbers = #tpu.dot_dimension_numbers<[1], [0], [0], [1], [0, 0, 1, 1], [], []>, transpose_lhs_hint = false} : vector<2048x64xbf16>, vector<64x256xbf16>, vector<2048x256xf32> -> vector<2048x256xf32>
    %add3A_56 = arith.addf %add3A_41, %dot_general3A_55 : vector<2048x256xf32>
    %get3A_57 = arith.constant 0 : index
    %get3A_58 = arith.constant 0 : index
    %get3A_59 = arith.constant 0 : index
    %get3A_60 = vector.load %arg1[%get3A_57, %get3A_58, %get3A_59] : memref<1x2048x256xf32, #tpu.memory_space<vmem>>, vector<1x2048x256xf32>
    %get3A_61 = vector.shape_cast %get3A_60 : vector<1x2048x256xf32> to vector<2048x256xf32>
    %add3A_62 = arith.addf %get3A_61, %add3A_56 : vector<2048x256xf32>
    %get3A_63 = arith.constant 0 : index
    %get3A_64 = arith.constant 0 : index
    %get3A_65 = vector.load %arg5[%get3A_63, %get3A_64] : memref<1x256xf32, #tpu.memory_space<vmem>>, vector<1x256xf32>
    %add3A_66 = vector.broadcast %get3A_65 : vector<1x256xf32> to vector<2048x256xf32>
    %add3A_67 = arith.addf %add3A_62, %add3A_66 : vector<2048x256xf32>
    %get3A_68 = arith.constant 0 : index
    %get3A_69 = arith.constant 0 : index
    %get3A_70 = vector.load %arg6[%get3A_68, %get3A_69] : memref<1x256xf32, #tpu.memory_space<vmem>>, vector<1x256xf32>
    %get3A_71 = arith.constant 0 : index
    %get3A_72 = arith.constant 0 : index
    %get3A_73 = vector.load %arg7[%get3A_71, %get3A_72] : memref<1x256xf32, #tpu.memory_space<vmem>>, vector<1x256xf32>
    %reduce_sum3A = arith.constant dense<0.000000e+00> : vector<2048xf32>
    %reduce_sum3A_74 = vector.multi_reduction <add>, %add3A_67, %reduce_sum3A [1] : vector<2048x256xf32> to vector<2048xf32>
    %broadcast_in_dim3A_75 = vector.shape_cast %reduce_sum3A_74 : vector<2048xf32> to vector<2048x1xf32>
    %div3A = arith.constant 2.560000e+02 : f32
    %div3A_76 = vector.broadcast %div3A : f32 to vector<2048x1xf32>
    %div3A_77 = arith.divf %broadcast_in_dim3A_75, %div3A_76 : vector<2048x1xf32>
    %sub3A = vector.broadcast %div3A_77 : vector<2048x1xf32> to vector<2048x256xf32>
    %sub3A_78 = arith.subf %add3A_67, %sub3A : vector<2048x256xf32>
    %integer_pow3A = arith.mulf %sub3A_78, %sub3A_78 : vector<2048x256xf32>
    %reduce_sum3A_79 = arith.constant dense<0.000000e+00> : vector<2048xf32>
    %reduce_sum3A_80 = vector.multi_reduction <add>, %integer_pow3A, %reduce_sum3A_79 [1] : vector<2048x256xf32> to vector<2048xf32>
    %broadcast_in_dim3A_81 = vector.shape_cast %reduce_sum3A_80 : vector<2048xf32> to vector<2048x1xf32>
    %div3A_82 = arith.constant 2.560000e+02 : f32
    %div3A_83 = vector.broadcast %div3A_82 : f32 to vector<2048x1xf32>
    %div3A_84 = arith.divf %broadcast_in_dim3A_81, %div3A_83 : vector<2048x1xf32>
    %sub3A_85 = vector.broadcast %div3A_77 : vector<2048x1xf32> to vector<2048x256xf32>
    %sub3A_86 = arith.subf %add3A_67, %sub3A_85 : vector<2048x256xf32>
    %add3A_87 = arith.constant 9.99999974E-6 : f32
    %add3A_88 = vector.broadcast %add3A_87 : f32 to vector<2048x1xf32>
    %add3A_89 = arith.addf %div3A_84, %add3A_88 : vector<2048x1xf32>
    %rsqrt3A = math.rsqrt %add3A_89 : vector<2048x1xf32>
    %mul3A = vector.broadcast %rsqrt3A : vector<2048x1xf32> to vector<2048x256xf32>
    %mul3A_90 = arith.mulf %sub3A_86, %mul3A : vector<2048x256xf32>
    %mul3A_91 = vector.broadcast %get3A_70 : vector<1x256xf32> to vector<2048x256xf32>
    %mul3A_92 = arith.mulf %mul3A_90, %mul3A_91 : vector<2048x256xf32>
    %add3A_93 = vector.broadcast %get3A_73 : vector<1x256xf32> to vector<2048x256xf32>
    %add3A_94 = arith.addf %mul3A_92, %add3A_93 : vector<2048x256xf32>
    %convert_element_type3A_95 = arith.truncf %add3A_94 : vector<2048x256xf32> to vector<2048x256xbf16>
    %get3A_96 = arith.constant 0 : index
    %get3A_97 = arith.constant 0 : index
    %get3A_98 = vector.load %arg8[%get3A_96, %get3A_97] : memref<256x1024xf32, #tpu.memory_space<vmem>>, vector<256x1024xf32>
    %convert_element_type3A_99 = arith.truncf %get3A_98 : vector<256x1024xf32> to vector<256x1024xbf16>
    %dot_general3A_100 = arith.constant dense<0.000000e+00> : vector<2048x1024xf32>
    %dot_general3A_101 = tpu.matmul %convert_element_type3A_95, %convert_element_type3A_99, %dot_general3A_100 {dimension_numbers = #tpu.dot_dimension_numbers<[1], [0], [0], [1], [0, 0, 1, 1], [], []>, transpose_lhs_hint = false} : vector<2048x256xbf16>, vector<256x1024xbf16>, vector<2048x1024xf32> -> vector<2048x1024xf32>
    %get3A_102 = arith.constant 0 : index
    %get3A_103 = arith.constant 0 : index
    %get3A_104 = vector.load %arg9[%get3A_102, %get3A_103] : memref<1x1024xf32, #tpu.memory_space<vmem>>, vector<1x1024xf32>
    %add3A_105 = vector.broadcast %get3A_104 : vector<1x1024xf32> to vector<2048x1024xf32>
    %add3A_106 = arith.addf %dot_general3A_101, %add3A_105 : vector<2048x1024xf32>
    %mul3A_107 = arith.constant 5.000000e-01 : f32
    %mul3A_108 = vector.broadcast %mul3A_107 : f32 to vector<2048x1024xf32>
    %mul3A_109 = arith.mulf %mul3A_108, %add3A_106 : vector<2048x1024xf32>
    %mul3A_110 = arith.constant 0.707106769 : f32
    %mul3A_111 = vector.broadcast %mul3A_110 : f32 to vector<2048x1024xf32>
    %mul3A_112 = arith.mulf %add3A_106, %mul3A_111 : vector<2048x1024xf32>
    %erf3A = math.erf %mul3A_112 : vector<2048x1024xf32>
    %add3A_113 = arith.constant 1.000000e+00 : f32
    %add3A_114 = vector.broadcast %add3A_113 : f32 to vector<2048x1024xf32>
    %add3A_115 = arith.addf %add3A_114, %erf3A : vector<2048x1024xf32>
    %mul3A_116 = arith.mulf %mul3A_109, %add3A_115 : vector<2048x1024xf32>
    %get3A_117 = arith.constant 0 : index
    %get3A_118 = arith.constant 0 : index
    %get3A_119 = arith.constant 0 : index
    %get3A_120 = vector.load %arg2[%get3A_117, %get3A_118, %get3A_119] : memref<1x2048x256xf32, #tpu.memory_space<vmem>>, vector<1x2048x256xf32>
    %get3A_121 = vector.shape_cast %get3A_120 : vector<1x2048x256xf32> to vector<2048x256xf32>
    %convert_element_type3A_122 = arith.truncf %mul3A_116 : vector<2048x1024xf32> to vector<2048x1024xbf16>
    %get3A_123 = arith.constant 0 : index
    %get3A_124 = arith.constant 0 : index
    %get3A_125 = vector.load %arg10[%get3A_123, %get3A_124] : memref<1024x256xf32, #tpu.memory_space<vmem>>, vector<1024x256xf32>
    %convert_element_type3A_126 = arith.truncf %get3A_125 : vector<1024x256xf32> to vector<1024x256xbf16>
    %dot_general3A_127 = arith.constant dense<0.000000e+00> : vector<2048x256xf32>
    %dot_general3A_128 = tpu.matmul %convert_element_type3A_122, %convert_element_type3A_126, %dot_general3A_127 {dimension_numbers = #tpu.dot_dimension_numbers<[1], [0], [0], [1], [0, 0, 1, 1], [], []>, transpose_lhs_hint = false} : vector<2048x1024xbf16>, vector<1024x256xbf16>, vector<2048x256xf32> -> vector<2048x256xf32>
    %add3A_129 = arith.addf %get3A_121, %dot_general3A_128 : vector<2048x256xf32>
    %get3A_130 = arith.constant 0 : index
    %get3A_131 = arith.constant 0 : index
    %get3A_132 = vector.load %arg11[%get3A_130, %get3A_131] : memref<1x256xf32, #tpu.memory_space<vmem>>, vector<1x256xf32>
    %add3A_133 = vector.broadcast %get3A_132 : vector<1x256xf32> to vector<2048x256xf32>
    %add3A_134 = arith.addf %add3A_129, %add3A_133 : vector<2048x256xf32>
    %add3A_135 = arith.addf %add3A_67, %add3A_134 : vector<2048x256xf32>
    %mul3A_136 = arith.constant 5.000000e-01 : f32
    %mul3A_137 = vector.broadcast %mul3A_136 : f32 to vector<2048x256xf32>
    %mul3A_138 = arith.mulf %add3A_135, %mul3A_137 : vector<2048x256xf32>
    %get3A_139 = arith.constant 0 : index
    %get3A_140 = arith.constant 0 : index
    %get3A_141 = vector.load %arg12[%get3A_139, %get3A_140] : memref<1x256xf32, #tpu.memory_space<vmem>>, vector<1x256xf32>
    %get3A_142 = arith.constant 0 : index
    %get3A_143 = arith.constant 0 : index
    %get3A_144 = vector.load %arg13[%get3A_142, %get3A_143] : memref<1x256xf32, #tpu.memory_space<vmem>>, vector<1x256xf32>
    %reduce_sum3A_145 = arith.constant dense<0.000000e+00> : vector<2048xf32>
    %reduce_sum3A_146 = vector.multi_reduction <add>, %mul3A_138, %reduce_sum3A_145 [1] : vector<2048x256xf32> to vector<2048xf32>
    %broadcast_in_dim3A_147 = vector.shape_cast %reduce_sum3A_146 : vector<2048xf32> to vector<2048x1xf32>
    %div3A_148 = arith.constant 2.560000e+02 : f32
    %div3A_149 = vector.broadcast %div3A_148 : f32 to vector<2048x1xf32>
    %div3A_150 = arith.divf %broadcast_in_dim3A_147, %div3A_149 : vector<2048x1xf32>
    %sub3A_151 = vector.broadcast %div3A_150 : vector<2048x1xf32> to vector<2048x256xf32>
    %sub3A_152 = arith.subf %mul3A_138, %sub3A_151 : vector<2048x256xf32>
    %integer_pow3A_153 = arith.mulf %sub3A_152, %sub3A_152 : vector<2048x256xf32>
    %reduce_sum3A_154 = arith.constant dense<0.000000e+00> : vector<2048xf32>
    %reduce_sum3A_155 = vector.multi_reduction <add>, %integer_pow3A_153, %reduce_sum3A_154 [1] : vector<2048x256xf32> to vector<2048xf32>
    %broadcast_in_dim3A_156 = vector.shape_cast %reduce_sum3A_155 : vector<2048xf32> to vector<2048x1xf32>
    %div3A_157 = arith.constant 2.560000e+02 : f32
    %div3A_158 = vector.broadcast %div3A_157 : f32 to vector<2048x1xf32>
    %div3A_159 = arith.divf %broadcast_in_dim3A_156, %div3A_158 : vector<2048x1xf32>
    %sub3A_160 = vector.broadcast %div3A_150 : vector<2048x1xf32> to vector<2048x256xf32>
    %sub3A_161 = arith.subf %mul3A_138, %sub3A_160 : vector<2048x256xf32>
    %add3A_162 = arith.constant 9.99999974E-6 : f32
    %add3A_163 = vector.broadcast %add3A_162 : f32 to vector<2048x1xf32>
    %add3A_164 = arith.addf %div3A_159, %add3A_163 : vector<2048x1xf32>
    %rsqrt3A_165 = math.rsqrt %add3A_164 : vector<2048x1xf32>
    %mul3A_166 = vector.broadcast %rsqrt3A_165 : vector<2048x1xf32> to vector<2048x256xf32>
    %mul3A_167 = arith.mulf %sub3A_161, %mul3A_166 : vector<2048x256xf32>
    %mul3A_168 = vector.broadcast %get3A_141 : vector<1x256xf32> to vector<2048x256xf32>
    %mul3A_169 = arith.mulf %mul3A_167, %mul3A_168 : vector<2048x256xf32>
    %add3A_170 = vector.broadcast %get3A_144 : vector<1x256xf32> to vector<2048x256xf32>
    %add3A_171 = arith.addf %mul3A_169, %add3A_170 : vector<2048x256xf32>
    %reduce_sum3A_172 = arith.constant dense<0.000000e+00> : vector<256xf32>
    %reduce_sum3A_173 = vector.multi_reduction <add>, %add3A_171, %reduce_sum3A_172 [0] : vector<2048x256xf32> to vector<256xf32>
    %broadcast_in_dim3A_174 = vector.shape_cast %reduce_sum3A_173 : vector<256xf32> to vector<1x256xf32>
    %div3A_175 = arith.constant 2.048000e+03 : f32
    %div3A_176 = vector.broadcast %div3A_175 : f32 to vector<1x256xf32>
    %div3A_177 = arith.divf %broadcast_in_dim3A_174, %div3A_176 : vector<1x256xf32>
    %get3A_178 = arith.constant 0 : index
    %get3A_179 = arith.constant 0 : index
    %get3A_180 = vector.load %arg14[%get3A_178, %get3A_179] : memref<256x256xf32, #tpu.memory_space<vmem>>, vector<256x256xf32>
    %dot_general3A_181 = arith.constant dense<0.000000e+00> : vector<1x256xf32>
    %dot_general3A_182 = tpu.matmul %div3A_177, %get3A_180, %dot_general3A_181 {dimension_numbers = #tpu.dot_dimension_numbers<[1], [0], [0], [1], [0, 0, 1, 1], [], []>, transpose_lhs_hint = false} : vector<1x256xf32>, vector<256x256xf32>, vector<1x256xf32> -> vector<1x256xf32>
    %get3A_183 = arith.constant 0 : index
    %get3A_184 = arith.constant 0 : index
    %get3A_185 = vector.load %arg15[%get3A_183, %get3A_184] : memref<1x256xf32, #tpu.memory_space<vmem>>, vector<1x256xf32>
    %add3A_186 = arith.addf %dot_general3A_182, %get3A_185 : vector<1x256xf32>
    %max3A = arith.constant 0.000000e+00 : f32
    %max3A_187 = vector.broadcast %max3A : f32 to vector<1x256xf32>
    %max3A_188 = arith.maximumf %add3A_186, %max3A_187 : vector<1x256xf32>
    %get3A_189 = arith.constant 0 : index
    %get3A_190 = arith.constant 0 : index
    %get3A_191 = vector.load %arg16[%get3A_189, %get3A_190] : memref<256x4xf32, #tpu.memory_space<vmem>>, vector<256x4xf32>
    %dot_general3A_192 = arith.constant dense<0.000000e+00> : vector<1x4xf32>
    %dot_general3A_193 = tpu.matmul %max3A_188, %get3A_191, %dot_general3A_192 {dimension_numbers = #tpu.dot_dimension_numbers<[1], [0], [0], [1], [0, 0, 1, 1], [], []>, transpose_lhs_hint = false} : vector<1x256xf32>, vector<256x4xf32>, vector<1x4xf32> -> vector<1x4xf32>
    %get3A_194 = arith.constant 0 : index
    %get3A_195 = arith.constant 0 : index
    %get3A_196 = vector.load %arg17[%get3A_194, %get3A_195] : memref<1x4xf32, #tpu.memory_space<vmem>>, vector<1x4xf32>
    %add3A_197 = arith.addf %dot_general3A_193, %get3A_196 : vector<1x4xf32>
    %swap3A = arith.constant 0 : index
    %swap3A_198 = arith.constant 0 : index
    %swap3A_199 = arith.constant 0 : index
    %swap3A_200 = vector.load %arg18[%swap3A, %swap3A_198, %swap3A_199] : memref<1x1x4xf32, #tpu.memory_space<vmem>>, vector<1x1x4xf32>
    %swap3A_201 = vector.shape_cast %swap3A_200 : vector<1x1x4xf32> to vector<1x4xf32>
    %swap3A_202 = vector.shape_cast %add3A_197 : vector<1x4xf32> to vector<1x1x4xf32>
    tpu.vector_store %arg18[%swap3A, %swap3A_198, %swap3A_199], %swap3A_202 {strides = array<i32>} : memref<1x1x4xf32, #tpu.memory_space<vmem>>, vector<1x1x4xf32>,
    return
  }
  func.func @transform_0(%arg0: i32) -> (i32, i32, i32) {
    %c0_i32 = arith.constant 0 : i32
    %c0_i32_0 = arith.constant 0 : i32
    %c0_i32_1 = arith.constant 0 : i32
    return %arg0, %c0_i32, %c0_i32_0 : i32, i32, i32
  }
  func.func @transform_1(%arg0: i32) -> (i32, i32, i32) {
    %c0_i32 = arith.constant 0 : i32
    %c0_i32_0 = arith.constant 0 : i32
    %c0_i32_1 = arith.constant 0 : i32
    return %arg0, %c0_i32, %c0_i32_0 : i32, i32, i32
  }
  func.func @transform_2(%arg0: i32) -> (i32, i32, i32, i32) {
    %c0_i32 = arith.constant 0 : i32
    %c0_i32_0 = arith.constant 0 : i32
    %c0_i32_1 = arith.constant 0 : i32
    %c0_i32_2 = arith.constant 0 : i32
    return %arg0, %c0_i32, %c0_i32_0, %c0_i32_1 : i32, i32, i32, i32
  }
  func.func @transform_3(%arg0: i32) -> (i32, i32, i32) {
    %c0_i32 = arith.constant 0 : i32
    %c0_i32_0 = arith.constant 0 : i32
    %c0_i32_1 = arith.constant 0 : i32
    %c0_i32_2 = arith.constant 0 : i32
    return %c0_i32, %c0_i32_0, %c0_i32_1 : i32, i32, i32
  }
  func.func @transform_4(%arg0: i32) -> (i32, i32) {
    %c0_i32 = arith.constant 0 : i32
    %c0_i32_0 = arith.constant 0 : i32
    %c0_i32_1 = arith.constant 0 : i32
    return %c0_i32, %c0_i32_0 : i32, i32
  }
  func.func @transform_5(%arg0: i32) -> (i32, i32) {
    %c0_i32 = arith.constant 0 : i32
    %c0_i32_0 = arith.constant 0 : i32
    %c0_i32_1 = arith.constant 0 : i32
    return %c0_i32, %c0_i32_0 : i32, i32
  }
  func.func @transform_6(%arg0: i32) -> (i32, i32) {
    %c0_i32 = arith.constant 0 : i32
    %c0_i32_0 = arith.constant 0 : i32
    %c0_i32_1 = arith.constant 0 : i32
    return %c0_i32, %c0_i32_0 : i32, i32
  }
  func.func @transform_7(%arg0: i32) -> (i32, i32) {
    %c0_i32 = arith.constant 0 : i32
    %c0_i32_0 = arith.constant 0 : i32
    %c0_i32_1 = arith.constant 0 : i32
    return %c0_i32, %c0_i32_0 : i32, i32
  }
  func.func @transform_8(%arg0: i32) -> (i32, i32) {
    %c0_i32 = arith.constant 0 : i32
    %c0_i32_0 = arith.constant 0 : i32
    %c0_i32_1 = arith.constant 0 : i32
    return %c0_i32, %c0_i32_0 : i32, i32
  }
  func.func @transform_9(%arg0: i32) -> (i32, i32) {
    %c0_i32 = arith.constant 0 : i32
    %c0_i32_0 = arith.constant 0 : i32
    %c0_i32_1 = arith.constant 0 : i32
    return %c0_i32, %c0_i32_0 : i32, i32
  }
  func.func @transform_10(%arg0: i32) -> (i32, i32) {
    %c0_i32 = arith.constant 0 : i32
    %c0_i32_0 = arith.constant 0 : i32
    %c0_i32_1 = arith.constant 0 : i32
    return %c0_i32, %c0_i32_0 : i32, i32
  }
  func.func @transform_11(%arg0: i32) -> (i32, i32) {
    %c0_i32 = arith.constant 0 : i32
    %c0_i32_0 = arith.constant 0 : i32
    %c0_i32_1 = arith.constant 0 : i32
    return %c0_i32, %c0_i32_0 : i32, i32
  }
  func.func @transform_12(%arg0: i32) -> (i32, i32) {
    %c0_i32 = arith.constant 0 : i32
    %c0_i32_0 = arith.constant 0 : i32
    %c0_i32_1 = arith.constant 0 : i32
    return %c0_i32, %c0_i32_0 : i32, i32
  }
  func.func @transform_13(%arg0: i32) -> (i32, i32) {
    %c0_i32 = arith.constant 0 : i32
    %c0_i32_0 = arith.constant 0 : i32
    %c0_i32_1 = arith.constant 0 : i32
    return %c0_i32, %c0_i32_0 : i32, i32
  }
  func.func @transform_14(%arg0: i32) -> (i32, i32) {
    %c0_i32 = arith.constant 0 : i32
    %c0_i32_0 = arith.constant 0 : i32
    %c0_i32_1 = arith.constant 0 : i32
    return %c0_i32, %c0_i32_0 : i32, i32
  }
  func.func @transform_15(%arg0: i32) -> (i32, i32) {
    %c0_i32 = arith.constant 0 : i32
    %c0_i32_0 = arith.constant 0 : i32
    %c0_i32_1 = arith.constant 0 : i32
    return %c0_i32, %c0_i32_0 : i32, i32
  }
  func.func @transform_16(%arg0: i32) -> (i32, i32) {
    %c0_i32 = arith.constant 0 : i32
    %c0_i32_0 = arith.constant 0 : i32
    %c0_i32_1 = arith.constant 0 : i32
    return %c0_i32, %c0_i32_0 : i32, i32
  }
  func.func @transform_17(%arg0: i32) -> (i32, i32, i32) {
    %c0_i32 = arith.constant 0 : i32
    %c0_i32_0 = arith.constant 0 : i32
    %c0_i32_1 = arith.constant 0 : i32
    return %arg0, %c0_i32, %c0_i32_0 : i32, i32, i32
  }
}

</mosaic_0001>

<sc_bundles>
// kernel: kernel.8.cloned.1.call-start
scs
__scs_entry_jumppad:
0x0: {  	(pc) =	sbr.rel $0x88, $3  }
0x1: {  	(tag) =	ssettag $0x0;
	lr =	simm.s32 $0x1  }
0x2: {  	[smem:$0x3F8C] =	sst lr;
	_ =	strace $0xD0000000  }
0x3: {  	_ = 	snop  }
0x4: {  	_ = 	snop  }
0x5: {  	_ = 	snop  }
0x6: {  	_ = 	snop  }
0x7: {  	_ = 	snop  }
__scs_overlays_trampoline_lowered:
0x8: {  	[smem:$0x3F9B] =	sst s0  }
0x9: {  	[smem:$0x3F9C] =	sst s1  }
0xa: {  	[smem:$0x3F9D] =	sst s2  }
0xb: {  	[smem:$0x3F9E] =	sst s3  }
0xc: {  	[smem:$0x3F9F] =	sst s4  }
0xd: {  	[smem:$0x3FA0] =	sst s5  }
0xe: {  	[smem:$0x3FA1] =	sst s6  }
0xf: {  	[smem:$0x3FA2] =	sst s7  }
0x10: {  	[smem:$0x3FA3] =	sst s8  }
0x11: {  	[smem:$0x3FA4] =	sst s9;
	s0 =	simm.s32 @!p0 $0x0  }
0x12: {  	s1 =	sld [smem:$0x3F8A];
	s0 =	simm.s32 @p0 $0x1  }
0x13: {  	[smem:$0x3FA5] =	sst s0;
	s0 =	simm.s32 @!p1 $0x0  }
0x14: {  	s2 =	sld [smem:$0x3F89];
	s0 =	simm.s32 @p1 $0x1  }
0x15: {  	[smem:$0x3FA6] =	sst s0;
	s0 =	simm.s32 @!p2 $0x0  }
0x16: {  	s3 =	sld [smem:$0x3FDB];
	s0 =	simm.s32 @p2 $0x1  }
0x17: {  	s4 =	simm.s32 $0x1BF5;
	[smem:$0x3FA8] =	sst s0  }
0x18: {  	s0 =	sld [smem:$0x3F8B];
	_ =	swait.ge [sflag:s4], $0x0  }
0x19: {  	s7 =	sld [smem:$0x3F8C]  }
0x1a: {  	s8 =	sadd.s32 $0xFFFFE003, lr  }
0x1b: {  	s9 =	sadd.s32 $0xFFFFFEF7, lr;
	s5 =	simm.s32 $0xFFFFFFFF;
	p2 =	slt.u32 s8, $0xFFFFF086  }
0x1c: {  	p1 =	slt.u32 s9, $0xF7A;
	s5 =	simm.s32 @!p2 $0x0  }
0x1d: {  	s5 =	simm.s32 @p1 $0x1;
	p0 =	seq.s32 s7, s2  }
0x1e: {  	s7 =	smul.u32 @!p0 $0xF7A, s2;
	p2 =	seq.s32 @!p0 s5, $0x0  }
0x1f: {  	s9 =	smul.u32 $0xF7A, s1;
	s8 =	simm.s32 @!p0 $0x1BF5;
	p2 =	por !p2, p0  }
0x20: {  	[sflag:s8] =	ssyncset.s32 @!p0 $0xFFFFF086;
	s6 =	sadd.s32 @!p0 s3, s7;
	s7 =	simm.s32 @!p0 $0x108  }
0x21: {  	s3 =	sadd.s32 s3, s9;
	s6 =	sadd.s32 @!p0 $0x88, s6;
	s7 =	simm.s32 @p2 $0x1082  }
0x22: {  	[simem:s7], [sflag:s8] =	dma.local @!p0 [hbm:s6], $0xF7A  }
0x23: {  	s9 =	sor.u32 $0xD0000000, s2;
	s6 =	simm.s32 $0x108;
	_ =	swait.ge @!p0 [sflag:s8], $0x0  }
0x24: {  	s3 =	sadd.s32 $0x88, s3;
	s6 =	simm.s32 @!p1 $0x1082;
	[sflag:s4] =	ssyncset.s32 $0xFFFFF086  }
0x25: {  	[simem:s6], [sflag:s4] =	dma.local [hbm:s3], $0xF7A  }
0x26: {  	[smem:$0x3F8C] =	sst s1;
	(tag) =	ssettag s2;
	_ =	strace s9  }
0x27: {  	s1 =	sld [smem:$0x3F9C]  }
0x28: {  	s2 =	sld [smem:$0x3F9D]  }
0x29: {  	s4 =	sld [smem:$0x3F9F]  }
0x2a: {  	p0 =	seq.s32 s5, $0x0;
	s5 =	sld [smem:$0x3FA0]  }
0x2b: {  	s6 =	sld [smem:$0x3FA1]  }
0x2c: {  	s7 =	sld [smem:$0x3FA2]  }
0x2d: {  	s3 =	simm.s32 $0x108;
	s8 =	sld [smem:$0x3FA3]  }
0x2e: {  	s3 =	simm.s32 @!p0 $0x1082;
	s9 =	sld [smem:$0x3FA4]  }
0x2f: {  	lr =	sadd.s32 s0, s3;
	s0 =	sld [smem:$0x3F9B]  }
0x30: {  	s3 =	sld [smem:$0x3F9E]  }
0x31: {  	[smem:$0x3FA7] =	sst s10  }
0x32: {  	s10 =	sld [smem:$0x3FA5];
	_ =	sdelay $0x3  }
0x33: {  	p0 =	seq.s32 s10, $0x1;
	s10 =	sld [smem:$0x3FA7];
	_ =	sdelay $0x3  }
0x34: {  	[smem:$0x3FA7] =	sst s10  }
0x35: {  	s10 =	sld [smem:$0x3FA6];
	_ =	sdelay $0x3  }
0x36: {  	p1 =	seq.s32 s10, $0x1;
	s10 =	sld [smem:$0x3FA7];
	_ =	sdelay $0x3  }
0x37: {  	[smem:$0x3FA7] =	sst s10  }
0x38: {  	s10 =	sld [smem:$0x3FA8]  }
0x39: {  	_ = 	snop;
	(pc) =	sbr.ind lr, $3  }
0x3a: {  	_ = 	snop  }
0x3b: {  	_ = 	snop  }
0x3c: {  	p2 =	seq.s32 s10, $0x1;
	s10 =	sld [smem:$0x3FA7]  }
0x3d: {  	_ =	shalt  }
0x3e: {  	_ =	shalt  }
0x3f: {  	_ =	shalt  }
0x40: {  	_ =	shalt  }
0x41: {  	_ =	shalt  }
0x42: {  	_ =	shalt  }
0x43: {  	_ =	shalt  }
0x44: {  	_ =	shalt  }
0x45: {  	_ =	shalt  }
0x46: {  	_ =	shalt  }
0x47: {  	_ =	shalt  }
0x48: {  	_ =	shalt  }
0x49: {  	_ =	shalt  }
0x4a: {  	_ =	shalt  }
0x4b: {  	_ =	shalt  }
0x4c: {  	_ =	shalt  }
0x4d: {  	_ =	shalt  }
0x4e: {  	_ =	shalt  }
0x4f: {  	_ =	shalt  }
0x50: {  	_ =	shalt  }
0x51: {  	_ =	shalt  }
0x52: {  	_ =	shalt  }
0x53: {  	_ =	shalt  }
0x54: {  	_ =	shalt  }
0x55: {  	_ =	shalt  }
0x56: {  	_ =	shalt  }
0x57: {  	_ =	shalt  }
0x58: {  	_ =	shalt  }
0x59: {  	_ =	shalt  }
0x5a: {  	_ =	shalt  }
0x5b: {  	_ =	shalt  }
0x5c: {  	_ =	shalt  }
0x5d: {  	_ =	shalt  }
0x5e: {  	_ =	shalt  }
0x5f: {  	_ =	shalt  }
0x60: {  	_ =	shalt  }
0x61: {  	_ =	shalt  }
0x62: {  	_ =	shalt  }
0x63: {  	_ =	shalt  }
0x64: {  	_ =	shalt  }
0x65: {  	_ =	shalt  }
0x66: {  	_ =	shalt  }
0x67: {  	_ =	shalt  }
0x68: {  	_ =	shalt  }
0x69: {  	_ =	shalt  }
0x6a: {  	_ =	shalt  }
0x6b: {  	_ =	shalt  }
0x6c: {  	_ =	shalt  }
0x6d: {  	_ =	shalt  }
0x6e: {  	_ =	shalt  }
0x6f: {  	_ =	shalt  }
0x70: {  	_ =	shalt  }
0x71: {  	_ =	shalt  }
0x72: {  	_ =	shalt  }
0x73: {  	_ =	shalt  }
0x74: {  	_ =	shalt  }
0x75: {  	_ =	shalt  }
0x76: {  	_ =	shalt  }
0x77: {  	_ =	shalt  }
0x78: {  	_ =	shalt  }
0x79: {  	_ =	shalt  }
0x7a: {  	_ =	shalt  }
0x7b: {  	_ =	shalt  }
0x7c: {  	_ =	shalt  }
0x7d: {  	_ =	shalt  }
0x7e: {  	_ =	shalt  }
0x7f: {  	_ =	shalt  }
0x80: {  	_ =	shalt  }
0x81: {  	_ =	shalt  }
0x82: {  	_ =	shalt  }
0x83: {  	_ =	shalt  }
0x84: {  	_ =	shalt  }
0x85: {  	_ =	shalt  }
0x86: {  	_ =	shalt  }
0x87: {  	_ =	shalt  }
.Lfunc_end0:
.L_simem_size_0:
called_computation_lowered:
.L_overlay_start_0:
0x88: {  	s2 =	sld [smem:$0x3FD9]  }
0x89: {  	s3 =	sld [smem:$0x3FFE];
	_ =	sdelay $0x1  }
0x8a: {  	s1 =	srdreg.scid  }
0x8b: {  	s0 =	sand.u32 $0x1, s1  }
0x8c: {  	s17 =	sshll.u32 s0, $0xA;
	s2 =	sadd.s32 s3, s2  }
0x8d: {  	s2 =	sadd.s32 s2, s17  }
0x8e: {  	[smem:$0x3FB3] =	sst s2  }
0x8f: {  	_ = 	snop  }
0x90: {  	s2 =	sld [smem:$0x3FC8];
	(tm) =	ssettm $0x1  }
0x91: {  	s18 =	sld [smem:$0x3FFB];
	_ =	sdelay $0x3  }
0x92: {  	_ =	strace s18  }
0x93: {  	s3 =	sld [smem:$0x3FFC];
	_ =	sdelay $0x3  }
0x94: {  	_ =	strace s3  }
0x95: {  	s3 =	sld [smem:$0x3FFD];
	_ =	sdelay $0x3  }
0x96: {  	_ =	strace s3  }
0x97: {  	_ =	strace $0x8FFFFFFF  }
0x98: {  	s19 =	sld [smem:$0x3FDB];
	_ =	sdelay $0x1  }
0x99: {  	s4 =	simm.s32 $_scs_section_size  }
0x9a: {  	s5 =	simm.s32 $_size__tile_overlayer_lowered;
	s6 =	simm.s32 $_tile_overlayer_lowered  }
0x9b: {  	s22 =	simm.s32 $0x1BFF;
	s21 =	sshll.u32 s6, $0x1;
	s3 =	sadd.s32 s4, s19  }
0x9c: {  	s7 =	simm.s32 $0x0;
	s20 =	sshll.u32 s5, $0x1;
	s5 =	sadd.s32 s21, s3  }
0x9d: {  	[timem:s7], [sflag:s22] =	dma.local [hbm:s5], s20  }
0x9e: {  	_ =	swait.ge [sflag:s22], s20  }
0x9f: {  	s4 =	ssub.s32 $0x0, s20;
	[sflag:s22] =	ssyncset.done $0x0  }
0xa0: {  	[sflag:s22] =	ssyncadd.s32 s4;
	_ =	sdelay $0x1  }
0xa1: {  	s23 =	simm.s32 $0x1B8B  }
0xa2: {  	_ =	swait.ge [sflag:s23], $0x1  }
0xa3: {  	[sflag:s23] =	ssyncset.done $0x0  }
0xa4: {  	s25 =	simm.s32 $0x1B8E;
	s24 =	sld [smem:$0x3FFE];
	[sflag:s23] =	ssyncadd.s32 $0xFFFFFFFF  }
0xa5: {  	s26 =	simm.s32 $execute0_lowered;
	[smem:$0x3FD2] =	sst s25  }
0xa6: {  	s5 =	sshll.u32 s26, $0x1;
	_ =	strace $0x80000046;
	[dreg:$0x1] =	wrdreg $0xFFFFFFFF  }
0xa7: {  	s28 =	simm.s32 $_size_execute0_lowered;
	s3 =	sadd.s32 s3, s5;
	[dreg:$0x0] =	wrdreg $0x0  }
0xa8: {  	s5 =	sshll.u32 s28, $0x1;
	[dreg:$0x2] =	wrdreg s3  }
0xa9: {  	[dreg:$0x3] =	wrdreg s5  }
0xaa: {  	[dreg:$0x4] =	wrdreg $0xC0  }
0xab: {  	_ =	task [dreg:s7], $0x5FFFF  }
0xac: {  	[dreg:$0x1] =	wrdreg $0xFFFFFFFF  }
0xad: {  	[dreg:$0x0] =	wrdreg $0x60  }
0xae: {  	[dreg:$0x2] =	wrdreg s2  }
0xaf: {  	[dreg:$0x3] =	wrdreg s24  }
0xb0: {  	[dreg:$0x4] =	wrdreg $0x9  }
0xb1: {  	_ =	task.clear_ibuf [dreg:s7], $0x5FFFF;
	_ =	strace $0x90000046  }
0xb2: {  	s29 =	simm.s32 $0x9;
	_ =	strace $0x8000004D  }
0xb3: {  	_ =	swait.ge [sflag:s29], $0x1  }
0xb4: {  	[sflag:s29] =	ssyncadd.s32 $0xFFFFFFFF  }
0xb5: {  	_ =	strace $0x9000004D  }
0xb6: {  	_ =	sfence  }
0xb7: {  	s30 =	sld [smem:$0x0];
	_ =	sdelay $0x2  }
0xb8: {  	s31 =	sshll.u32 s1, $0xD;
	s1 =	sshrl.u32 s1, $0x2  }
0xb9: {  	s3 =	sand.u32 $0x4000, s31;
	s1 =	sadd.s32 s1, s30  }
0xba: {  	s0 =	sor.u32 s3, s0;
	s1 =	sshll.u32 s1, $0x11  }
0xbb: {  	s0 =	sor.u32 s1, s0  }
0xbc: {  	s0 =	sadd.s32 $0x8F2B, s0  }
0xbd: {  	[sflag:s0] =	ssyncadd.remote.s32 $0x1  }
0xbe: {  	_ =	sfence.sel $0xFFFF  }
0xbf: {  	[dreg:$0x0] =	wrdreg $0xFFFFFFFF;
	(pc) =	sbr.abs _section_cstart, $3  }
0xc0: {  	[dreg:$0x1] =	wrdreg $0xFFFFFFFF  }
0xc1: {  	_ =	task.clear_ibuf [dreg:s7], $0x2FFFF;
	_ =	strace $0x9FFFFFFF  }
0xc2: {  	(tm) =	ssettm $0x7FFFFFFF  }
0xc3: {  	_ =	shalt  }
tec
execute0_lowered:
.L_overlay_start_1:
0x0: {  	(tag) =	ssettag $0x1  }
0x1: {  	s2 =	rddreg [dreg:$0x0]  }
0x2: {  	s4 =	rddreg [dreg:$0x1];
	s3 =	srdreg.scid  }
0x3: {  	s0 =	rddreg [dreg:$0x2];
	s1 =	stileid.u32  }
0x4: {  	s9 =	simm.s32 $0x900;
	s10 =	simm.s32 $0x1100;
	s11 =	simm.s32 $0x1900  }
0x5: {  	s12 =	simm.s32 $0x2100;
	s13 =	simm.s32 $0x2900;
	s14 =	simm.s32 $0x3100  }
0x6: {  	s15 =	simm.s32 $0x3900;
	s16 =	simm.s32 $0x4100;
	s17 =	simm.s32 $0x4900  }
0x7: {  	s18 =	simm.s32 $0x5100;
	s19 =	simm.s32 $0x5900;
	s20 =	simm.s32 $0x6100  }
0x8: {  	s21 =	simm.s32 $0x6900;
	s22 =	simm.s32 $0x7100;
	s23 =	simm.s32 $0x7900  }
0x9: {  	s24 =	simm.s32 $0x5;
	s25 =	simm.s32 $0x3;
	s5 =	sand.u32 $0x1, s3  }
0xa: {  	s3 =	simm.s32 $0x0;
	s7 =	sshll.u32 s1, $0x7;
	s6 =	sshll.u32 s5, $0xB  }
0xb: {  	[smem:$0x7FF] =	sst s3;
	s5 =	ssub.s32 $0x2, s5;
	s6 =	sor.u32 s7, s6  }
0xc: {  	_ =	strace $0x80000047;
	s7 =	sshrl.u32 s6, $0x3;
	s6 =	sshll.u32 s6, $0x5  }
0xd: {  	v2 =	vlaneseq.u32;
	s8 =	sshrl.u32 s5, $0x1;
	s7 =	sadd.s32 s7, s4;
	s6 =	sadd.s32 s6, s4  }
0xe: {  	vm0 =	vmmov $0xffff;
	v1 =	vshrl.u32 v2, $0x3;
	s8 =	ssub.s32 s5, s8;
	s4 =	sadd.s32 $0x4400, s7;
	s5 =	sadd.s32 $0x4600, s6  }
0xf: {  	v0 =	vand.u32 $0x7, v2;
	v2 =	vor.u32 $0x8, v2;
	v1 =	vmul.u32 $0x8, v1;
	s6 =	smax.u32 s8, $0x1;
	s7 =	simm.s32 $0x1;
	s8 =	simm.s32 $0x100  }
.LBB2_1:
0x10: {  	_ =	strace $0x80000048  }
0x11: {  	[tilespmem:s3], [sflag:$0x1] =	stream.linear.gather [hbm4b:s4+s3], $0x80, $0x200038;
	[tilespmem:$0x10100] =	vst v63  }
0x12: {  	_ =	strace $0x90000048  }
0x13: {  	_ =	strace $0x80000049  }
0x14: {  	_ =	swait.ge [sflag:s7], $0x80  }
0x15: {  	[sflag:s7] =	ssyncset.done $0x0  }
0x16: {  	[sflag:s7] =	ssyncadd.s32 $0xFFFFFF80  }
0x17: {  	_ =	strace $0x90000049  }
0x18: {  	_ =	strace $0x8000004A  }
0x19: {  	v3 =	vld [tilespmem:$0x0];
	_ =	sdelay $0x4  }
0x1a: {  	v4 =	vshll.u32 v3, $0x1  }
0x1b: {  	v3 =	vand.u32 $0x7, v3;
	v4 =	vand.u32 $0xFFFFFFF0, v4  }
0x1c: {  	v3 =	vor.u32 v3, v4  }
0x1d: {  	v4 =	vperm.xlane v3, v0;
	_ =	sdelay $0x1  }
0x1e: {  	v3 =	vperm.xlane v3, v2;
	v4 =	vadd.s32 v1, v4;
	_ =	sdelay $0x1  }
0x1f: {  	v3 =	vadd.s32 v1, v3;
	_ =	sdelay $0x2  }
0x20: {  	[tilespmem:s8], [sflag:$0x5] =	stream.indirect_vreg.gather [hbm4b:s2+s3], $0x80, v4, vm0, $0x2000b8;
	[tilespmem:$0x10100] =	vst v63  }
0x21: {  	_ = 	snop  }
0x22: {  	[tilespmem:s9], [sflag:$0x5] =	stream.indirect_vreg.gather [hbm4b:s2+s3], $0x80, v3, vm0, $0x2000b8;
	[tilespmem:$0x10100] =	vst v63  }
0x23: {  	v3 =	vld [tilespmem:$0x10];
	_ =	sdelay $0x4  }
0x24: {  	v57 =	vshll.u32 v3, $0x1  }
0x25: {  	v3 =	vand.u32 $0x7, v3;
	v4 =	vand.u32 $0xFFFFFFF0, v57  }
0x26: {  	v3 =	vor.u32 v3, v4  }
0x27: {  	v4 =	vperm.xlane v3, v0;
	_ =	sdelay $0x1  }
0x28: {  	v3 =	vperm.xlane v3, v2;
	v4 =	vadd.s32 v1, v4;
	_ =	sdelay $0x1  }
0x29: {  	v3 =	vadd.s32 v1, v3;
	_ =	sdelay $0x2  }
0x2a: {  	[tilespmem:s10], [sflag:$0x5] =	stream.indirect_vreg.gather [hbm4b:s2+s3], $0x80, v4, vm0, $0x2000b8;
	[tilespmem:$0x10100] =	vst v63  }
0x2b: {  	_ = 	snop  }
0x2c: {  	[tilespmem:s11], [sflag:$0x5] =	stream.indirect_vreg.gather [hbm4b:s2+s3], $0x80, v3, vm0, $0x2000b8;
	[tilespmem:$0x10100] =	vst v63  }
0x2d: {  	v3 =	vld [tilespmem:$0x20];
	_ =	sdelay $0x4  }
0x2e: {  	v58 =	vshll.u32 v3, $0x1  }
0x2f: {  	v3 =	vand.u32 $0x7, v3;
	v4 =	vand.u32 $0xFFFFFFF0, v58  }
0x30: {  	v3 =	vor.u32 v3, v4  }
0x31: {  	v4 =	vperm.xlane v3, v0;
	_ =	sdelay $0x1  }
0x32: {  	v3 =	vperm.xlane v3, v2;
	v4 =	vadd.s32 v1, v4;
	_ =	sdelay $0x1  }
0x33: {  	v3 =	vadd.s32 v1, v3;
	_ =	sdelay $0x2  }
0x34: {  	[tilespmem:s12], [sflag:$0x5] =	stream.indirect_vreg.gather [hbm4b:s2+s3], $0x80, v4, vm0, $0x2000b8;
	[tilespmem:$0x10100] =	vst v63  }
0x35: {  	_ = 	snop  }
0x36: {  	[tilespmem:s13], [sflag:$0x5] =	stream.indirect_vreg.gather [hbm4b:s2+s3], $0x80, v3, vm0, $0x2000b8;
	[tilespmem:$0x10100] =	vst v63  }
0x37: {  	v3 =	vld [tilespmem:$0x30];
	_ =	sdelay $0x4  }
0x38: {  	v59 =	vshll.u32 v3, $0x1  }
0x39: {  	v3 =	vand.u32 $0x7, v3;
	v4 =	vand.u32 $0xFFFFFFF0, v59  }
0x3a: {  	v3 =	vor.u32 v3, v4  }
0x3b: {  	v4 =	vperm.xlane v3, v0;
	_ =	sdelay $0x1  }
0x3c: {  	v3 =	vperm.xlane v3, v2;
	v4 =	vadd.s32 v1, v4;
	_ =	sdelay $0x1  }
0x3d: {  	v3 =	vadd.s32 v1, v3;
	_ =	sdelay $0x2  }
0x3e: {  	[tilespmem:s14], [sflag:$0x5] =	stream.indirect_vreg.gather [hbm4b:s2+s3], $0x80, v4, vm0, $0x2000b8;
	[tilespmem:$0x10100] =	vst v63  }
0x3f: {  	_ = 	snop  }
0x40: {  	[tilespmem:s15], [sflag:$0x5] =	stream.indirect_vreg.gather [hbm4b:s2+s3], $0x80, v3, vm0, $0x2000b8;
	[tilespmem:$0x10100] =	vst v63  }
0x41: {  	v3 =	vld [tilespmem:$0x40];
	_ =	sdelay $0x4  }
0x42: {  	v60 =	vshll.u32 v3, $0x1  }
0x43: {  	v3 =	vand.u32 $0x7, v3;
	v4 =	vand.u32 $0xFFFFFFF0, v60  }
0x44: {  	v3 =	vor.u32 v3, v4  }
0x45: {  	v4 =	vperm.xlane v3, v0;
	_ =	sdelay $0x1  }
0x46: {  	v3 =	vperm.xlane v3, v2;
	v4 =	vadd.s32 v1, v4;
	_ =	sdelay $0x1  }
0x47: {  	v3 =	vadd.s32 v1, v3;
	_ =	sdelay $0x2  }
0x48: {  	[tilespmem:s16], [sflag:$0x5] =	stream.indirect_vreg.gather [hbm4b:s2+s3], $0x80, v4, vm0, $0x2000b8;
	[tilespmem:$0x10100] =	vst v63  }
0x49: {  	_ = 	snop  }
0x4a: {  	[tilespmem:s17], [sflag:$0x5] =	stream.indirect_vreg.gather [hbm4b:s2+s3], $0x80, v3, vm0, $0x2000b8;
	[tilespmem:$0x10100] =	vst v63  }
0x4b: {  	v3 =	vld [tilespmem:$0x50];
	_ =	sdelay $0x4  }
0x4c: {  	v61 =	vshll.u32 v3, $0x1  }
0x4d: {  	v3 =	vand.u32 $0x7, v3;
	v4 =	vand.u32 $0xFFFFFFF0, v61  }
0x4e: {  	v3 =	vor.u32 v3, v4  }
0x4f: {  	v4 =	vperm.xlane v3, v0;
	_ =	sdelay $0x1  }
0x50: {  	v3 =	vperm.xlane v3, v2;
	v4 =	vadd.s32 v1, v4;
	_ =	sdelay $0x1  }
0x51: {  	v3 =	vadd.s32 v1, v3;
	_ =	sdelay $0x2  }
0x52: {  	[tilespmem:s18], [sflag:$0x5] =	stream.indirect_vreg.gather [hbm4b:s2+s3], $0x80, v4, vm0, $0x2000b8;
	[tilespmem:$0x10100] =	vst v63  }
0x53: {  	_ = 	snop  }
0x54: {  	[tilespmem:s19], [sflag:$0x5] =	stream.indirect_vreg.gather [hbm4b:s2+s3], $0x80, v3, vm0, $0x2000b8;
	[tilespmem:$0x10100] =	vst v63  }
0x55: {  	v3 =	vld [tilespmem:$0x60];
	_ =	sdelay $0x4  }
0x56: {  	v62 =	vshll.u32 v3, $0x1  }
0x57: {  	v3 =	vand.u32 $0x7, v3;
	v4 =	vand.u32 $0xFFFFFFF0, v62  }
0x58: {  	v3 =	vor.u32 v3, v4  }
0x59: {  	v4 =	vperm.xlane v3, v0;
	_ =	sdelay $0x1  }
0x5a: {  	v3 =	vperm.xlane v3, v2;
	v4 =	vadd.s32 v1, v4;
	_ =	sdelay $0x1  }
0x5b: {  	v3 =	vadd.s32 v1, v3;
	_ =	sdelay $0x2  }
0x5c: {  	[tilespmem:s20], [sflag:$0x5] =	stream.indirect_vreg.gather [hbm4b:s2+s3], $0x80, v4, vm0, $0x2000b8;
	[tilespmem:$0x10100] =	vst v63  }
0x5d: {  	_ = 	snop  }
0x5e: {  	[tilespmem:s21], [sflag:$0x5] =	stream.indirect_vreg.gather [hbm4b:s2+s3], $0x80, v3, vm0, $0x2000b8;
	[tilespmem:$0x10100] =	vst v63  }
0x5f: {  	v3 =	vld [tilespmem:$0x70];
	_ =	sdelay $0x4  }
0x60: {  	v63 =	vshll.u32 v3, $0x1  }
0x61: {  	v3 =	vand.u32 $0x7, v3;
	v4 =	vand.u32 $0xFFFFFFF0, v63  }
0x62: {  	v3 =	vor.u32 v3, v4  }
0x63: {  	v4 =	vperm.xlane v3, v0;
	_ =	sdelay $0x1  }
0x64: {  	v3 =	vperm.xlane v3, v2;
	v4 =	vadd.s32 v1, v4;
	_ =	sdelay $0x1  }
0x65: {  	v3 =	vadd.s32 v1, v3;
	_ =	sdelay $0x2  }
0x66: {  	[tilespmem:s22], [sflag:$0x5] =	stream.indirect_vreg.gather [hbm4b:s2+s3], $0x80, v4, vm0, $0x2000b8;
	[tilespmem:$0x10100] =	vst v63  }
0x67: {  	_ = 	snop  }
0x68: {  	[tilespmem:s23], [sflag:$0x5] =	stream.indirect_vreg.gather [hbm4b:s2+s3], $0x80, v3, vm0, $0x2000b8;
	[tilespmem:$0x10100] =	vst v63  }
0x69: {  	_ =	swait.ge [sflag:s24], $0x8000  }
0x6a: {  	[sflag:s24] =	ssyncset.done $0x0  }
0x6b: {  	[sflag:s24] =	ssyncadd.s32 $0xFFFF8000  }
0x6c: {  	_ =	strace $0x9000004A  }
0x6d: {  	_ =	strace $0x8000004B  }
0x6e: {  	[hbm4b:s5+s3] =	stream.linear.scatter [tilespmem:s8], [sflag:$0x3], $0x8000, $0x200038;
	[tilespmem:$0x10100] =	vst v63  }
0x6f: {  	p0 =	sne.s32 s6, $0x1;
	_ =	strace $0x9000004B  }
.Ltmp0:
0x70: {  	_ =	strace $0x8000004C;
	(pc) =	sbr.rel @p0 .LBB2_1-.Ltmp0, $4  }
0x71: {  	_ =	swait.ge [sflag:s25], $0x8000  }
0x72: {  	[sflag:s25] =	ssyncset.done $0x0  }
0x73: {  	[sflag:s25] =	ssyncadd.s32 $0xFFFF8000  }
0x74: {  	s6 =	sadd.s32 $0xFFFFFFFF, s6;
	_ =	strace $0x9000004C  }
0x75: {  	_ =	sfence.sel $0x180000  }
0x76: {  	[bflag:$0x0] =	sbarrier.arrive $0xFFFF  }
0x77: {  	p0 =	sne.s32 s1, $0x0;
	_ =	strace $0x90000047  }
0x78: {  	s0 =	sadd.s32 @!p0 $0x100000, s0;
	[bflag:$0x2] =	sbarrier.arrive $0xFFFF  }
0x79: {  	[sflag:s0] =	ssyncadd.tile.s32 @!p0 $0x1;
	_ =	shalt  }
.Lfunc_end2:
_tile_overlayer_lowered:
.L_overlay_start_2:
0x7a: {  	(tag) =	ssettag $0x2  }
0x7b: {  	s0 =	rddreg [dreg:$0x0];
	s2 =	stileid.u32  }
0x7c: {  	s1 =	rddreg [dreg:$0x1];
	p0 =	sne.s32 s2, $0x0  }
0x7d: {  	s3 =	rddreg [dreg:$0x2];
	[bflag:$0x3] =	sbarrier.arrive $0xFFFF;
	s2 =	simm.s32 @!p0 $0x1C01  }
0x7e: {  	[timem:s3], [sflag:s2] =	dma.local @!p0 [hbm:s0], s1  }
0x7f: {  	s0 =	simm.s32 @!p0 $0x1  }
0x80: {  	_ =	swait.ge @!p0 [sflag:s0], s1  }
0x81: {  	s1 =	ssub.s32 @!p0 $0x0, s1;
	[sflag:s0] =	ssyncset.done @!p0 $0x0  }
0x82: {  	[sflag:s0] =	ssyncadd.s32 @!p0 s1  }
0x83: {  	[bflag:$0x3] =	sbarrier.arrive $0xFFFF  }
0x84: {  	_ =	shalt  }

</sc_bundles>
